<compile_context>
chip_gen: v7x
topology: tpu7x:2x2x1
jax: 0.10.2.dev20260603
libtpu: 0.0.44.dev20260713+nightly
codegen_flags: <defaults>
</compile_context>

<pallas_src>
import jax
import jax.numpy as jnp
from jax import lax
from jax.experimental import pallas as pl
from jax.experimental.pallas import tpu as pltpu
from jax.experimental.pallas import tpu_sc as plsc

D = 16
NBINS = 5
NC = 2
NS = 16
NW = NC * NS
BLK = 2048


def _body(in_hbm, freq_hbm, edges_hbm, out_hbm, inb, acc, ef, pf, pn):
    n_flat = in_hbm.shape[0]
    rows_per_w = n_flat // (D * NW)
    nblk = rows_per_w // BLK

    wid = lax.axis_index("s") * NC + lax.axis_index("c")

    pltpu.sync_copy(edges_hbm, ef)
    pltpu.sync_copy(freq_hbm, pf)

    rows = [pf[pl.ds(D * k, D)] for k in range(NBINS)]
    total = rows[0] + rows[1] + rows[2] + rows[3] + rows[4]
    inv = 1.0 / total
    for k in range(NBINS):
        pn[pl.ds(D * k, D)] = rows[k] * inv

    iota = lax.iota(jnp.int32, D)
    row0 = wid * rows_per_w

    def block_body(b, carry):
        base = row0 + b * BLK
        pltpu.sync_copy(in_hbm.at[pl.ds(base * D, BLK * D)], inb)
        for d in range(D):
            e = [plsc.load_gather(ef, [jnp.full((D,), D * k + d, jnp.int32)])
                 for k in range(1, NBINS)]
            p = [plsc.load_gather(pn, [jnp.full((D,), D * k + d, jnp.int32)])
                 for k in range(NBINS)]

            def fbody(j, idxv, d=d, e=e, p=p):
                x = plsc.load_gather(inb, [idxv])
                prob = p[0]
                for k in range(1, NBINS):
                    prob = jnp.where(x >= e[k - 1], p[k], prob)
                sl = pl.ds(j * D, D)
                if d == 0:
                    acc[sl] = prob
                else:
                    acc[sl] = acc[sl] * prob
                return idxv + D * D

            lax.fori_loop(0, BLK // D, fbody, iota * D + d)
        pltpu.sync_copy(acc, out_hbm.at[pl.ds(base, BLK)])
        return carry

    lax.fori_loop(0, nblk, block_body, 0)


def kernel(inputs, frequencies, edges):
    n = inputs.shape[0]
    mesh = plsc.VectorSubcoreMesh(
        core_axis_name="c", subcore_axis_name="s",
        num_cores=NC, num_subcores=NS)
    run = pl.kernel(
        _body,
        out_type=jax.ShapeDtypeStruct((n,), jnp.float32),
        mesh=mesh,
        compiler_params=pltpu.CompilerParams(needs_layout_passes=False),
        scratch_types=[
            pltpu.VMEM((BLK * D,), jnp.float32),
            pltpu.VMEM((BLK,), jnp.float32),
            pltpu.VMEM((D * (NBINS + 1),), jnp.float32),
            pltpu.VMEM((D * NBINS,), jnp.float32),
            pltpu.VMEM((D * NBINS,), jnp.float32),
        ],
    )
    return run(inputs.reshape(-1), frequencies.reshape(-1), edges.reshape(-1))

# --- scband reference (transcript-rebuilt; emitter-appended) ---
"""Pipeline reference for scband-histogram-layer-13048110645959 (READ-ONLY COPY).

The authoritative reference and input builder live on the scoring server;
editing this copy changes nothing except your own understanding.
"""

import jax, jax.numpy as jnp
import numpy as np

N = 1048576
D = 16
NUM_BINS = 5


def setup_inputs(seed: int = 0) -> dict:
    key = jax.random.key(seed)
    k1, k2 = jax.random.split(key)
    inputs = jax.random.normal(k1, (N, D), dtype=jnp.float32)
    # State variables of the layer, materialized as explicit parameters.
    # frequencies: accumulated per-bin counts (strictly positive so probs are well-defined)
    frequencies = jax.random.uniform(k2, (NUM_BINS, D), dtype=jnp.float32, minval=1.0, maxval=100.0)
    # edges: per-feature bin edges produced by update_state via tf.linspace(min, max, num_bins+1)
    lo = jnp.full((D,), -4.0, dtype=jnp.float32)
    hi = jnp.full((D,), 4.0, dtype=jnp.float32)
    edges = jnp.linspace(lo, hi, NUM_BINS + 1).astype(jnp.float32)  # (NUM_BINS+1, D)
    return {"inputs": inputs, "frequencies": frequencies, "edges": edges}


def reference(inputs, frequencies, edges):
    # Inference branch of HistogramLayer.call (training=False):
    # hist_probs = frequencies / sum(frequencies, axis=0)
    # bin_indices = find_bins(inputs, edges, extend_lower/upper_interval=True)
    # probabilities = gather_nd(hist_probs, stack([bin_indices, col_idx]))
    # bias = prod(probabilities, axis=1)
    num_bins = frequencies.shape[0]
    hist_probs = frequencies / jnp.sum(frequencies, axis=0, keepdims=True)

    def find_bins_col(x_col, e_col):
        idx = jnp.searchsorted(e_col, x_col, side='right') - 1
        # extend_lower_interval / extend_upper_interval=True -> clamp out-of-range to edge bins
        return jnp.clip(idx, 0, num_bins - 1)

    bin_indices = jax.vmap(find_bins_col, in_axes=(1, 1), out_axes=1)(inputs, edges)  # (N, D) int
    col_idx = jnp.broadcast_to(jnp.arange(inputs.shape[1]), inputs.shape)
    probabilities = hist_probs[bin_indices, col_idx]  # gather_nd equivalent
    bias = jnp.prod(probabilities, axis=1)
    return bias

if __name__ == "__main__":
    import jax
    _d = setup_inputs()
    print(jax.jit(kernel)(*tuple(_d.values())))

</pallas_src>

<mosaic_0001>
#map = affine_map<(d0, d1) -> (0)>
module attributes {stable_mosaic.version = 14 : i64} {
  func.func @_body(%arg0: i32, %arg1: i32, %arg2: memref<16777216xf32, #tpu.memory_space<hbm>>, %arg3: memref<80xf32, #tpu.memory_space<hbm>>, %arg4: memref<96xf32, #tpu.memory_space<hbm>>, %arg5: memref<1048576xf32, #tpu.memory_space<hbm>>, %arg6: memref<32768xf32, #tpu.memory_space<vmem>>, %arg7: memref<2048xf32, #tpu.memory_space<vmem>>, %arg8: memref<96xf32, #tpu.memory_space<vmem>>, %arg9: memref<80xf32, #tpu.memory_space<vmem>>, %arg10: memref<80xf32, #tpu.memory_space<vmem>>) attributes {dimension_semantics = [#tpu.dimension_semantics<core_parallel>, #tpu.dimension_semantics<subcore_parallel>], iteration_bounds = array<i64: 2, 16>, scalar_prefetch = 0 : i64, scratch_operands = 5 : i64, tpu.core_type = #tpu.core_type<sc_vector_subcore>, window_params = [{transform_indices = #map}, {transform_indices = #map}, {transform_indices = #map}, {transform_indices = #map}]} {
    %mul3A = arith.constant 2 : i32
    %mul3A_0 = arith.muli %arg1, %mul3A : i32
    %add3A = arith.addi %mul3A_0, %arg0 : i32
    "tpu.region"() ({
      %run_scoped3A = tpu.sem_alloc : memref<!tpu.dma_semaphore, #tpu.memory_space<semaphore_mem>>
      tpu.enqueue_dma source(%arg4 : memref<96xf32, #tpu.memory_space<hbm>>) target(%arg8 : memref<96xf32, #tpu.memory_space<vmem>>) target_semaphore(%run_scoped3A : memref<!tpu.dma_semaphore, #tpu.memory_space<semaphore_mem>>)
      tpu.wait_dma2 semaphore(%run_scoped3A : memref<!tpu.dma_semaphore, #tpu.memory_space<semaphore_mem>>) src(%arg4 : memref<96xf32, #tpu.memory_space<hbm>>) dst(%arg8 : memref<96xf32, #tpu.memory_space<vmem>>)
      tpu.yield
    }) : () -> ()
    "tpu.region"() ({
      %run_scoped3A = tpu.sem_alloc : memref<!tpu.dma_semaphore, #tpu.memory_space<semaphore_mem>>
      tpu.enqueue_dma source(%arg3 : memref<80xf32, #tpu.memory_space<hbm>>) target(%arg9 : memref<80xf32, #tpu.memory_space<vmem>>) target_semaphore(%run_scoped3A : memref<!tpu.dma_semaphore, #tpu.memory_space<semaphore_mem>>)
      tpu.wait_dma2 semaphore(%run_scoped3A : memref<!tpu.dma_semaphore, #tpu.memory_space<semaphore_mem>>) src(%arg3 : memref<80xf32, #tpu.memory_space<hbm>>) dst(%arg9 : memref<80xf32, #tpu.memory_space<vmem>>)
      tpu.yield
    }) : () -> ()
    %get3A = arith.constant 0 : index
    %get3A_1 = tpu.vector_load %arg9[%get3A] {strides = array<i32>} : memref<80xf32, #tpu.memory_space<vmem>>, vector<16xf32>,
    %get3A_2 = arith.constant 16 : index
    %get3A_3 = tpu.vector_load %arg9[%get3A_2] {strides = array<i32>} : memref<80xf32, #tpu.memory_space<vmem>>, vector<16xf32>,
    %get3A_4 = arith.constant 32 : index
    %get3A_5 = tpu.vector_load %arg9[%get3A_4] {strides = array<i32>} : memref<80xf32, #tpu.memory_space<vmem>>, vector<16xf32>,
    %get3A_6 = arith.constant 48 : index
    %get3A_7 = tpu.vector_load %arg9[%get3A_6] {strides = array<i32>} : memref<80xf32, #tpu.memory_space<vmem>>, vector<16xf32>,
    %get3A_8 = arith.constant 64 : index
    %get3A_9 = tpu.vector_load %arg9[%get3A_8] {strides = array<i32>} : memref<80xf32, #tpu.memory_space<vmem>>, vector<16xf32>,
    %add3A_10 = arith.addf %get3A_1, %get3A_3 : vector<16xf32>
    %add3A_11 = arith.addf %add3A_10, %get3A_5 : vector<16xf32>
    %add3A_12 = arith.addf %add3A_11, %get3A_7 : vector<16xf32>
    %add3A_13 = arith.addf %add3A_12, %get3A_9 : vector<16xf32>
    %div3A = arith.constant 1.000000e+00 : f32
    %div3A_14 = vector.broadcast %div3A : f32 to vector<16xf32>
    %div3A_15 = arith.divf %div3A_14, %add3A_13 : vector<16xf32>
    %mul3A_16 = arith.mulf %get3A_1, %div3A_15 : vector<16xf32>
    %swap3A = arith.constant 0 : index
    %swap3A_17 = tpu.vector_load %arg10[%swap3A] {strides = array<i32>} : memref<80xf32, #tpu.memory_space<vmem>>, vector<16xf32>,
    tpu.vector_store %arg10[%swap3A], %mul3A_16 {strides = array<i32>} : memref<80xf32, #tpu.memory_space<vmem>>, vector<16xf32>,
    %mul3A_18 = arith.mulf %get3A_3, %div3A_15 : vector<16xf32>
    %swap3A_19 = arith.constant 16 : index
    %swap3A_20 = tpu.vector_load %arg10[%swap3A_19] {strides = array<i32>} : memref<80xf32, #tpu.memory_space<vmem>>, vector<16xf32>,
    tpu.vector_store %arg10[%swap3A_19], %mul3A_18 {strides = array<i32>} : memref<80xf32, #tpu.memory_space<vmem>>, vector<16xf32>,
    %mul3A_21 = arith.mulf %get3A_5, %div3A_15 : vector<16xf32>
    %swap3A_22 = arith.constant 32 : index
    %swap3A_23 = tpu.vector_load %arg10[%swap3A_22] {strides = array<i32>} : memref<80xf32, #tpu.memory_space<vmem>>, vector<16xf32>,
    tpu.vector_store %arg10[%swap3A_22], %mul3A_21 {strides = array<i32>} : memref<80xf32, #tpu.memory_space<vmem>>, vector<16xf32>,
    %mul3A_24 = arith.mulf %get3A_7, %div3A_15 : vector<16xf32>
    %swap3A_25 = arith.constant 48 : index
    %swap3A_26 = tpu.vector_load %arg10[%swap3A_25] {strides = array<i32>} : memref<80xf32, #tpu.memory_space<vmem>>, vector<16xf32>,
    tpu.vector_store %arg10[%swap3A_25], %mul3A_24 {strides = array<i32>} : memref<80xf32, #tpu.memory_space<vmem>>, vector<16xf32>,
    %mul3A_27 = arith.mulf %get3A_9, %div3A_15 : vector<16xf32>
    %swap3A_28 = arith.constant 64 : index
    %swap3A_29 = tpu.vector_load %arg10[%swap3A_28] {strides = array<i32>} : memref<80xf32, #tpu.memory_space<vmem>>, vector<16xf32>,
    tpu.vector_store %arg10[%swap3A_28], %mul3A_27 {strides = array<i32>} : memref<80xf32, #tpu.memory_space<vmem>>, vector<16xf32>,
    %iota3A = tpu.iota {dimensions = array<i32: 0>} : vector<16xi32>
    %mul3A_30 = arith.constant 32768 : i32
    %mul3A_31 = arith.muli %add3A, %mul3A_30 : i32
    %scan3A = arith.constant 0 : i32
    %scan3A_32 = arith.constant 0 : i32
    %scan3A_33 = arith.constant 16 : i32
    %scan3A_34 = arith.addi %scan3A_32, %scan3A_33 : i32
    %scan3A_35 = arith.constant 1 : i32
    scf.for %scan3A_37 = %scan3A_32 to %scan3A_34 step %scan3A_35  : i32 {
      %mul3A_38 = arith.constant 2048 : i32
      %mul3A_39 = arith.muli %scan3A_37, %mul3A_38 : i32
      %add3A_40 = arith.addi %mul3A_31, %mul3A_39 : i32
      %mul3A_41 = arith.constant 16 : i32
      %mul3A_42 = arith.muli %add3A_40, %mul3A_41 : i32
      "tpu.region"() ({
        %run_scoped3A = tpu.sem_alloc : memref<!tpu.dma_semaphore, #tpu.memory_space<semaphore_mem>>
        %dma_start3A = tpu.memref_slice %arg2[%mul3A_42] : memref<16777216xf32, #tpu.memory_space<hbm>> -> memref<32768xf32, #tpu.memory_space<hbm>>
        %dma_start3A_665 = tpu.memref_slice %arg2[%mul3A_42] : memref<16777216xf32, #tpu.memory_space<hbm>> -> memref<32768xf32, #tpu.memory_space<hbm>>
        tpu.enqueue_dma source(%dma_start3A_665 : memref<32768xf32, #tpu.memory_space<hbm>>) target(%arg6 : memref<32768xf32, #tpu.memory_space<vmem>>) target_semaphore(%run_scoped3A : memref<!tpu.dma_semaphore, #tpu.memory_space<semaphore_mem>>)
        %dma_wait3A = tpu.memref_slice %arg2[%mul3A_42] : memref<16777216xf32, #tpu.memory_space<hbm>> -> memref<32768xf32, #tpu.memory_space<hbm>>
        %dma_wait3A_666 = tpu.memref_slice %arg2[%mul3A_42] : memref<16777216xf32, #tpu.memory_space<hbm>> -> memref<32768xf32, #tpu.memory_space<hbm>>
        tpu.wait_dma2 semaphore(%run_scoped3A : memref<!tpu.dma_semaphore, #tpu.memory_space<semaphore_mem>>) src(%dma_wait3A_666 : memref<32768xf32, #tpu.memory_space<hbm>>) dst(%arg6 : memref<32768xf32, #tpu.memory_space<vmem>>)
        tpu.yield
      }) : () -> ()
      %broadcast_in_dim3A = arith.constant 16 : i32
      %broadcast_in_dim3A_43 = vector.broadcast %broadcast_in_dim3A : i32 to vector<16xi32>
      %gather3A = tpu.vector_load_idx %arg8[%broadcast_in_dim3A_43] : memref<96xf32, #tpu.memory_space<vmem>>[vector<16xi32>], vector<16xf32>,
      %broadcast_in_dim3A_44 = arith.constant 32 : i32
      %broadcast_in_dim3A_45 = vector.broadcast %broadcast_in_dim3A_44 : i32 to vector<16xi32>
      %gather3A_46 = tpu.vector_load_idx %arg8[%broadcast_in_dim3A_45] : memref<96xf32, #tpu.memory_space<vmem>>[vector<16xi32>], vector<16xf32>,
      %broadcast_in_dim3A_47 = arith.constant 48 : i32
      %broadcast_in_dim3A_48 = vector.broadcast %broadcast_in_dim3A_47 : i32 to vector<16xi32>
      %gather3A_49 = tpu.vector_load_idx %arg8[%broadcast_in_dim3A_48] : memref<96xf32, #tpu.memory_space<vmem>>[vector<16xi32>], vector<16xf32>,
      %broadcast_in_dim3A_50 = arith.constant 64 : i32
      %broadcast_in_dim3A_51 = vector.broadcast %broadcast_in_dim3A_50 : i32 to vector<16xi32>
      %gather3A_52 = tpu.vector_load_idx %arg8[%broadcast_in_dim3A_51] : memref<96xf32, #tpu.memory_space<vmem>>[vector<16xi32>], vector<16xf32>,
      %broadcast_in_dim3A_53 = arith.constant 0 : i32
      %broadcast_in_dim3A_54 = vector.broadcast %broadcast_in_dim3A_53 : i32 to vector<16xi32>
      %gather3A_55 = tpu.vector_load_idx %arg10[%broadcast_in_dim3A_54] : memref<80xf32, #tpu.memory_space<vmem>>[vector<16xi32>], vector<16xf32>,
      %broadcast_in_dim3A_56 = arith.constant 16 : i32
      %broadcast_in_dim3A_57 = vector.broadcast %broadcast_in_dim3A_56 : i32 to vector<16xi32>
      %gather3A_58 = tpu.vector_load_idx %arg10[%broadcast_in_dim3A_57] : memref<80xf32, #tpu.memory_space<vmem>>[vector<16xi32>], vector<16xf32>,
      %broadcast_in_dim3A_59 = arith.constant 32 : i32
      %broadcast_in_dim3A_60 = vector.broadcast %broadcast_in_dim3A_59 : i32 to vector<16xi32>
      %gather3A_61 = tpu.vector_load_idx %arg10[%broadcast_in_dim3A_60] : memref<80xf32, #tpu.memory_space<vmem>>[vector<16xi32>], vector<16xf32>,
      %broadcast_in_dim3A_62 = arith.constant 48 : i32
      %broadcast_in_dim3A_63 = vector.broadcast %broadcast_in_dim3A_62 : i32 to vector<16xi32>
      %gather3A_64 = tpu.vector_load_idx %arg10[%broadcast_in_dim3A_63] : memref<80xf32, #tpu.memory_space<vmem>>[vector<16xi32>], vector<16xf32>,
      %broadcast_in_dim3A_65 = arith.constant 64 : i32
      %broadcast_in_dim3A_66 = vector.broadcast %broadcast_in_dim3A_65 : i32 to vector<16xi32>
      %gather3A_67 = tpu.vector_load_idx %arg10[%broadcast_in_dim3A_66] : memref<80xf32, #tpu.memory_space<vmem>>[vector<16xi32>], vector<16xf32>,
      %mul3A_68 = arith.constant 16 : i32
      %mul3A_69 = vector.broadcast %mul3A_68 : i32 to vector<16xi32>
      %mul3A_70 = arith.muli %iota3A, %mul3A_69 : vector<16xi32>
      %add3A_71 = arith.constant 0 : i32
      %add3A_72 = vector.broadcast %add3A_71 : i32 to vector<16xi32>
      %add3A_73 = arith.addi %mul3A_70, %add3A_72 : vector<16xi32>
      %scan3A_74 = arith.constant 0 : i32
      %scan3A_75 = arith.constant 128 : i32
      %scan3A_76 = arith.addi %scan3A_74, %scan3A_75 : i32
      %scan3A_77 = arith.constant 1 : i32
      %scan3A_78 = scf.for %scan3A_665 = %scan3A_74 to %scan3A_76 step %scan3A_77 iter_args(%scan3A_666 = %add3A_73) -> (vector<16xi32>)  : i32 {
        %gather3A_667 = tpu.vector_load_idx %arg6[%scan3A_666] : memref<32768xf32, #tpu.memory_space<vmem>>[vector<16xi32>], vector<16xf32>,
        %ge3A = arith.cmpf oge, %gather3A_667, %gather3A : vector<16xf32>
        %select_n3A = arith.select %ge3A, %gather3A_58, %gather3A_55 : vector<16xi1>, vector<16xf32>
        %ge3A_668 = arith.cmpf oge, %gather3A_667, %gather3A_46 : vector<16xf32>
        %select_n3A_669 = arith.select %ge3A_668, %gather3A_61, %select_n3A : vector<16xi1>, vector<16xf32>
        %ge3A_670 = arith.cmpf oge, %gather3A_667, %gather3A_49 : vector<16xf32>
        %select_n3A_671 = arith.select %ge3A_670, %gather3A_64, %select_n3A_669 : vector<16xi1>, vector<16xf32>
        %ge3A_672 = arith.cmpf oge, %gather3A_667, %gather3A_52 : vector<16xf32>
        %select_n3A_673 = arith.select %ge3A_672, %gather3A_67, %select_n3A_671 : vector<16xi1>, vector<16xf32>
        %mul3A_674 = arith.constant 16 : i32
        %mul3A_675 = arith.muli %scan3A_665, %mul3A_674 : i32
        %swap3A_676 = arith.index_cast %mul3A_675 : i32 to index
        %swap3A_677 = tpu.vector_load %arg7[%swap3A_676] {strides = array<i32>} : memref<2048xf32, #tpu.memory_space<vmem>>, vector<16xf32>,
        tpu.vector_store %arg7[%swap3A_676], %select_n3A_673 {strides = array<i32>} : memref<2048xf32, #tpu.memory_space<vmem>>, vector<16xf32>,
        %add3A_678 = arith.constant 256 : i32
        %add3A_679 = vector.broadcast %add3A_678 : i32 to vector<16xi32>
        %add3A_680 = arith.addi %scan3A_666, %add3A_679 : vector<16xi32>
        scf.yield %add3A_680 : vector<16xi32>
      }
      %scan3A_79 = arith.constant 128 : i32
      %broadcast_in_dim3A_80 = arith.constant 17 : i32
      %broadcast_in_dim3A_81 = vector.broadcast %broadcast_in_dim3A_80 : i32 to vector<16xi32>
      %gather3A_82 = tpu.vector_load_idx %arg8[%broadcast_in_dim3A_81] : memref<96xf32, #tpu.memory_space<vmem>>[vector<16xi32>], vector<16xf32>,
      %broadcast_in_dim3A_83 = arith.constant 33 : i32
      %broadcast_in_dim3A_84 = vector.broadcast %broadcast_in_dim3A_83 : i32 to vector<16xi32>
      %gather3A_85 = tpu.vector_load_idx %arg8[%broadcast_in_dim3A_84] : memref<96xf32, #tpu.memory_space<vmem>>[vector<16xi32>], vector<16xf32>,
      %broadcast_in_dim3A_86 = arith.constant 49 : i32
      %broadcast_in_dim3A_87 = vector.broadcast %broadcast_in_dim3A_86 : i32 to vector<16xi32>
      %gather3A_88 = tpu.vector_load_idx %arg8[%broadcast_in_dim3A_87] : memref<96xf32, #tpu.memory_space<vmem>>[vector<16xi32>], vector<16xf32>,
      %broadcast_in_dim3A_89 = arith.constant 65 : i32
      %broadcast_in_dim3A_90 = vector.broadcast %broadcast_in_dim3A_89 : i32 to vector<16xi32>
      %gather3A_91 = tpu.vector_load_idx %arg8[%broadcast_in_dim3A_90] : memref<96xf32, #tpu.memory_space<vmem>>[vector<16xi32>], vector<16xf32>,
      %broadcast_in_dim3A_92 = arith.constant 1 : i32
      %broadcast_in_dim3A_93 = vector.broadcast %broadcast_in_dim3A_92 : i32 to vector<16xi32>
      %gather3A_94 = tpu.vector_load_idx %arg10[%broadcast_in_dim3A_93] : memref<80xf32, #tpu.memory_space<vmem>>[vector<16xi32>], vector<16xf32>,
      %broadcast_in_dim3A_95 = arith.constant 17 : i32
      %broadcast_in_dim3A_96 = vector.broadcast %broadcast_in_dim3A_95 : i32 to vector<16xi32>
      %gather3A_97 = tpu.vector_load_idx %arg10[%broadcast_in_dim3A_96] : memref<80xf32, #tpu.memory_space<vmem>>[vector<16xi32>], vector<16xf32>,
      %broadcast_in_dim3A_98 = arith.constant 33 : i32
      %broadcast_in_dim3A_99 = vector.broadcast %broadcast_in_dim3A_98 : i32 to vector<16xi32>
      %gather3A_100 = tpu.vector_load_idx %arg10[%broadcast_in_dim3A_99] : memref<80xf32, #tpu.memory_space<vmem>>[vector<16xi32>], vector<16xf32>,
      %broadcast_in_dim3A_101 = arith.constant 49 : i32
      %broadcast_in_dim3A_102 = vector.broadcast %broadcast_in_dim3A_101 : i32 to vector<16xi32>
      %gather3A_103 = tpu.vector_load_idx %arg10[%broadcast_in_dim3A_102] : memref<80xf32, #tpu.memory_space<vmem>>[vector<16xi32>], vector<16xf32>,
      %broadcast_in_dim3A_104 = arith.constant 65 : i32
      %broadcast_in_dim3A_105 = vector.broadcast %broadcast_in_dim3A_104 : i32 to vector<16xi32>
      %gather3A_106 = tpu.vector_load_idx %arg10[%broadcast_in_dim3A_105] : memref<80xf32, #tpu.memory_space<vmem>>[vector<16xi32>], vector<16xf32>,
      %mul3A_107 = arith.constant 16 : i32
      %mul3A_108 = vector.broadcast %mul3A_107 : i32 to vector<16xi32>
      %mul3A_109 = arith.muli %iota3A, %mul3A_108 : vector<16xi32>
      %add3A_110 = arith.constant 1 : i32
      %add3A_111 = vector.broadcast %add3A_110 : i32 to vector<16xi32>
      %add3A_112 = arith.addi %mul3A_109, %add3A_111 : vector<16xi32>
      %scan3A_113 = arith.constant 0 : i32
      %scan3A_114 = arith.constant 128 : i32
      %scan3A_115 = arith.addi %scan3A_113, %scan3A_114 : i32
      %scan3A_116 = arith.constant 1 : i32
      %scan3A_117 = scf.for %scan3A_665 = %scan3A_113 to %scan3A_115 step %scan3A_116 iter_args(%scan3A_666 = %add3A_112) -> (vector<16xi32>)  : i32 {
        %gather3A_667 = tpu.vector_load_idx %arg6[%scan3A_666] : memref<32768xf32, #tpu.memory_space<vmem>>[vector<16xi32>], vector<16xf32>,
        %ge3A = arith.cmpf oge, %gather3A_667, %gather3A_82 : vector<16xf32>
        %select_n3A = arith.select %ge3A, %gather3A_97, %gather3A_94 : vector<16xi1>, vector<16xf32>
        %ge3A_668 = arith.cmpf oge, %gather3A_667, %gather3A_85 : vector<16xf32>
        %select_n3A_669 = arith.select %ge3A_668, %gather3A_100, %select_n3A : vector<16xi1>, vector<16xf32>
        %ge3A_670 = arith.cmpf oge, %gather3A_667, %gather3A_88 : vector<16xf32>
        %select_n3A_671 = arith.select %ge3A_670, %gather3A_103, %select_n3A_669 : vector<16xi1>, vector<16xf32>
        %ge3A_672 = arith.cmpf oge, %gather3A_667, %gather3A_91 : vector<16xf32>
        %select_n3A_673 = arith.select %ge3A_672, %gather3A_106, %select_n3A_671 : vector<16xi1>, vector<16xf32>
        %mul3A_674 = arith.constant 16 : i32
        %mul3A_675 = arith.muli %scan3A_665, %mul3A_674 : i32
        %get3A_676 = arith.index_cast %mul3A_675 : i32 to index
        %get3A_677 = tpu.vector_load %arg7[%get3A_676] {strides = array<i32>} : memref<2048xf32, #tpu.memory_space<vmem>>, vector<16xf32>,
        %mul3A_678 = arith.mulf %get3A_677, %select_n3A_673 : vector<16xf32>
        %swap3A_679 = arith.index_cast %mul3A_675 : i32 to index
        %swap3A_680 = tpu.vector_load %arg7[%swap3A_679] {strides = array<i32>} : memref<2048xf32, #tpu.memory_space<vmem>>, vector<16xf32>,
        tpu.vector_store %arg7[%swap3A_679], %mul3A_678 {strides = array<i32>} : memref<2048xf32, #tpu.memory_space<vmem>>, vector<16xf32>,
        %add3A_681 = arith.constant 256 : i32
        %add3A_682 = vector.broadcast %add3A_681 : i32 to vector<16xi32>
        %add3A_683 = arith.addi %scan3A_666, %add3A_682 : vector<16xi32>
        scf.yield %add3A_683 : vector<16xi32>
      }
      %scan3A_118 = arith.constant 128 : i32
      %broadcast_in_dim3A_119 = arith.constant 18 : i32
      %broadcast_in_dim3A_120 = vector.broadcast %broadcast_in_dim3A_119 : i32 to vector<16xi32>
      %gather3A_121 = tpu.vector_load_idx %arg8[%broadcast_in_dim3A_120] : memref<96xf32, #tpu.memory_space<vmem>>[vector<16xi32>], vector<16xf32>,
      %broadcast_in_dim3A_122 = arith.constant 34 : i32
      %broadcast_in_dim3A_123 = vector.broadcast %broadcast_in_dim3A_122 : i32 to vector<16xi32>
      %gather3A_124 = tpu.vector_load_idx %arg8[%broadcast_in_dim3A_123] : memref<96xf32, #tpu.memory_space<vmem>>[vector<16xi32>], vector<16xf32>,
      %broadcast_in_dim3A_125 = arith.constant 50 : i32
      %broadcast_in_dim3A_126 = vector.broadcast %broadcast_in_dim3A_125 : i32 to vector<16xi32>
      %gather3A_127 = tpu.vector_load_idx %arg8[%broadcast_in_dim3A_126] : memref<96xf32, #tpu.memory_space<vmem>>[vector<16xi32>], vector<16xf32>,
      %broadcast_in_dim3A_128 = arith.constant 66 : i32
      %broadcast_in_dim3A_129 = vector.broadcast %broadcast_in_dim3A_128 : i32 to vector<16xi32>
      %gather3A_130 = tpu.vector_load_idx %arg8[%broadcast_in_dim3A_129] : memref<96xf32, #tpu.memory_space<vmem>>[vector<16xi32>], vector<16xf32>,
      %broadcast_in_dim3A_131 = arith.constant 2 : i32
      %broadcast_in_dim3A_132 = vector.broadcast %broadcast_in_dim3A_131 : i32 to vector<16xi32>
      %gather3A_133 = tpu.vector_load_idx %arg10[%broadcast_in_dim3A_132] : memref<80xf32, #tpu.memory_space<vmem>>[vector<16xi32>], vector<16xf32>,
      %broadcast_in_dim3A_134 = arith.constant 18 : i32
      %broadcast_in_dim3A_135 = vector.broadcast %broadcast_in_dim3A_134 : i32 to vector<16xi32>
      %gather3A_136 = tpu.vector_load_idx %arg10[%broadcast_in_dim3A_135] : memref<80xf32, #tpu.memory_space<vmem>>[vector<16xi32>], vector<16xf32>,
      %broadcast_in_dim3A_137 = arith.constant 34 : i32
      %broadcast_in_dim3A_138 = vector.broadcast %broadcast_in_dim3A_137 : i32 to vector<16xi32>
      %gather3A_139 = tpu.vector_load_idx %arg10[%broadcast_in_dim3A_138] : memref<80xf32, #tpu.memory_space<vmem>>[vector<16xi32>], vector<16xf32>,
      %broadcast_in_dim3A_140 = arith.constant 50 : i32
      %broadcast_in_dim3A_141 = vector.broadcast %broadcast_in_dim3A_140 : i32 to vector<16xi32>
      %gather3A_142 = tpu.vector_load_idx %arg10[%broadcast_in_dim3A_141] : memref<80xf32, #tpu.memory_space<vmem>>[vector<16xi32>], vector<16xf32>,
      %broadcast_in_dim3A_143 = arith.constant 66 : i32
      %broadcast_in_dim3A_144 = vector.broadcast %broadcast_in_dim3A_143 : i32 to vector<16xi32>
      %gather3A_145 = tpu.vector_load_idx %arg10[%broadcast_in_dim3A_144] : memref<80xf32, #tpu.memory_space<vmem>>[vector<16xi32>], vector<16xf32>,
      %mul3A_146 = arith.constant 16 : i32
      %mul3A_147 = vector.broadcast %mul3A_146 : i32 to vector<16xi32>
      %mul3A_148 = arith.muli %iota3A, %mul3A_147 : vector<16xi32>
      %add3A_149 = arith.constant 2 : i32
      %add3A_150 = vector.broadcast %add3A_149 : i32 to vector<16xi32>
      %add3A_151 = arith.addi %mul3A_148, %add3A_150 : vector<16xi32>
      %scan3A_152 = arith.constant 0 : i32
      %scan3A_153 = arith.constant 128 : i32
      %scan3A_154 = arith.addi %scan3A_152, %scan3A_153 : i32
      %scan3A_155 = arith.constant 1 : i32
      %scan3A_156 = scf.for %scan3A_665 = %scan3A_152 to %scan3A_154 step %scan3A_155 iter_args(%scan3A_666 = %add3A_151) -> (vector<16xi32>)  : i32 {
        %gather3A_667 = tpu.vector_load_idx %arg6[%scan3A_666] : memref<32768xf32, #tpu.memory_space<vmem>>[vector<16xi32>], vector<16xf32>,
        %ge3A = arith.cmpf oge, %gather3A_667, %gather3A_121 : vector<16xf32>
        %select_n3A = arith.select %ge3A, %gather3A_136, %gather3A_133 : vector<16xi1>, vector<16xf32>
        %ge3A_668 = arith.cmpf oge, %gather3A_667, %gather3A_124 : vector<16xf32>
        %select_n3A_669 = arith.select %ge3A_668, %gather3A_139, %select_n3A : vector<16xi1>, vector<16xf32>
        %ge3A_670 = arith.cmpf oge, %gather3A_667, %gather3A_127 : vector<16xf32>
        %select_n3A_671 = arith.select %ge3A_670, %gather3A_142, %select_n3A_669 : vector<16xi1>, vector<16xf32>
        %ge3A_672 = arith.cmpf oge, %gather3A_667, %gather3A_130 : vector<16xf32>
        %select_n3A_673 = arith.select %ge3A_672, %gather3A_145, %select_n3A_671 : vector<16xi1>, vector<16xf32>
        %mul3A_674 = arith.constant 16 : i32
        %mul3A_675 = arith.muli %scan3A_665, %mul3A_674 : i32
        %get3A_676 = arith.index_cast %mul3A_675 : i32 to index
        %get3A_677 = tpu.vector_load %arg7[%get3A_676] {strides = array<i32>} : memref<2048xf32, #tpu.memory_space<vmem>>, vector<16xf32>,
        %mul3A_678 = arith.mulf %get3A_677, %select_n3A_673 : vector<16xf32>
        %swap3A_679 = arith.index_cast %mul3A_675 : i32 to index
        %swap3A_680 = tpu.vector_load %arg7[%swap3A_679] {strides = array<i32>} : memref<2048xf32, #tpu.memory_space<vmem>>, vector<16xf32>,
        tpu.vector_store %arg7[%swap3A_679], %mul3A_678 {strides = array<i32>} : memref<2048xf32, #tpu.memory_space<vmem>>, vector<16xf32>,
        %add3A_681 = arith.constant 256 : i32
        %add3A_682 = vector.broadcast %add3A_681 : i32 to vector<16xi32>
        %add3A_683 = arith.addi %scan3A_666, %add3A_682 : vector<16xi32>
        scf.yield %add3A_683 : vector<16xi32>
      }
      %scan3A_157 = arith.constant 128 : i32
      %broadcast_in_dim3A_158 = arith.constant 19 : i32
      %broadcast_in_dim3A_159 = vector.broadcast %broadcast_in_dim3A_158 : i32 to vector<16xi32>
      %gather3A_160 = tpu.vector_load_idx %arg8[%broadcast_in_dim3A_159] : memref<96xf32, #tpu.memory_space<vmem>>[vector<16xi32>], vector<16xf32>,
      %broadcast_in_dim3A_161 = arith.constant 35 : i32
      %broadcast_in_dim3A_162 = vector.broadcast %broadcast_in_dim3A_161 : i32 to vector<16xi32>
      %gather3A_163 = tpu.vector_load_idx %arg8[%broadcast_in_dim3A_162] : memref<96xf32, #tpu.memory_space<vmem>>[vector<16xi32>], vector<16xf32>,
      %broadcast_in_dim3A_164 = arith.constant 51 : i32
      %broadcast_in_dim3A_165 = vector.broadcast %broadcast_in_dim3A_164 : i32 to vector<16xi32>
      %gather3A_166 = tpu.vector_load_idx %arg8[%broadcast_in_dim3A_165] : memref<96xf32, #tpu.memory_space<vmem>>[vector<16xi32>], vector<16xf32>,
      %broadcast_in_dim3A_167 = arith.constant 67 : i32
      %broadcast_in_dim3A_168 = vector.broadcast %broadcast_in_dim3A_167 : i32 to vector<16xi32>
      %gather3A_169 = tpu.vector_load_idx %arg8[%broadcast_in_dim3A_168] : memref<96xf32, #tpu.memory_space<vmem>>[vector<16xi32>], vector<16xf32>,
      %broadcast_in_dim3A_170 = arith.constant 3 : i32
      %broadcast_in_dim3A_171 = vector.broadcast %broadcast_in_dim3A_170 : i32 to vector<16xi32>
      %gather3A_172 = tpu.vector_load_idx %arg10[%broadcast_in_dim3A_171] : memref<80xf32, #tpu.memory_space<vmem>>[vector<16xi32>], vector<16xf32>,
      %broadcast_in_dim3A_173 = arith.constant 19 : i32
      %broadcast_in_dim3A_174 = vector.broadcast %broadcast_in_dim3A_173 : i32 to vector<16xi32>
      %gather3A_175 = tpu.vector_load_idx %arg10[%broadcast_in_dim3A_174] : memref<80xf32, #tpu.memory_space<vmem>>[vector<16xi32>], vector<16xf32>,
      %broadcast_in_dim3A_176 = arith.constant 35 : i32
      %broadcast_in_dim3A_177 = vector.broadcast %broadcast_in_dim3A_176 : i32 to vector<16xi32>
      %gather3A_178 = tpu.vector_load_idx %arg10[%broadcast_in_dim3A_177] : memref<80xf32, #tpu.memory_space<vmem>>[vector<16xi32>], vector<16xf32>,
      %broadcast_in_dim3A_179 = arith.constant 51 : i32
      %broadcast_in_dim3A_180 = vector.broadcast %broadcast_in_dim3A_179 : i32 to vector<16xi32>
      %gather3A_181 = tpu.vector_load_idx %arg10[%broadcast_in_dim3A_180] : memref<80xf32, #tpu.memory_space<vmem>>[vector<16xi32>], vector<16xf32>,
      %broadcast_in_dim3A_182 = arith.constant 67 : i32
      %broadcast_in_dim3A_183 = vector.broadcast %broadcast_in_dim3A_182 : i32 to vector<16xi32>
      %gather3A_184 = tpu.vector_load_idx %arg10[%broadcast_in_dim3A_183] : memref<80xf32, #tpu.memory_space<vmem>>[vector<16xi32>], vector<16xf32>,
      %mul3A_185 = arith.constant 16 : i32
      %mul3A_186 = vector.broadcast %mul3A_185 : i32 to vector<16xi32>
      %mul3A_187 = arith.muli %iota3A, %mul3A_186 : vector<16xi32>
      %add3A_188 = arith.constant 3 : i32
      %add3A_189 = vector.broadcast %add3A_188 : i32 to vector<16xi32>
      %add3A_190 = arith.addi %mul3A_187, %add3A_189 : vector<16xi32>
      %scan3A_191 = arith.constant 0 : i32
      %scan3A_192 = arith.constant 128 : i32
      %scan3A_193 = arith.addi %scan3A_191, %scan3A_192 : i32
      %scan3A_194 = arith.constant 1 : i32
      %scan3A_195 = scf.for %scan3A_665 = %scan3A_191 to %scan3A_193 step %scan3A_194 iter_args(%scan3A_666 = %add3A_190) -> (vector<16xi32>)  : i32 {
        %gather3A_667 = tpu.vector_load_idx %arg6[%scan3A_666] : memref<32768xf32, #tpu.memory_space<vmem>>[vector<16xi32>], vector<16xf32>,
        %ge3A = arith.cmpf oge, %gather3A_667, %gather3A_160 : vector<16xf32>
        %select_n3A = arith.select %ge3A, %gather3A_175, %gather3A_172 : vector<16xi1>, vector<16xf32>
        %ge3A_668 = arith.cmpf oge, %gather3A_667, %gather3A_163 : vector<16xf32>
        %select_n3A_669 = arith.select %ge3A_668, %gather3A_178, %select_n3A : vector<16xi1>, vector<16xf32>
        %ge3A_670 = arith.cmpf oge, %gather3A_667, %gather3A_166 : vector<16xf32>
        %select_n3A_671 = arith.select %ge3A_670, %gather3A_181, %select_n3A_669 : vector<16xi1>, vector<16xf32>
        %ge3A_672 = arith.cmpf oge, %gather3A_667, %gather3A_169 : vector<16xf32>
        %select_n3A_673 = arith.select %ge3A_672, %gather3A_184, %select_n3A_671 : vector<16xi1>, vector<16xf32>
        %mul3A_674 = arith.constant 16 : i32
        %mul3A_675 = arith.muli %scan3A_665, %mul3A_674 : i32
        %get3A_676 = arith.index_cast %mul3A_675 : i32 to index
        %get3A_677 = tpu.vector_load %arg7[%get3A_676] {strides = array<i32>} : memref<2048xf32, #tpu.memory_space<vmem>>, vector<16xf32>,
        %mul3A_678 = arith.mulf %get3A_677, %select_n3A_673 : vector<16xf32>
        %swap3A_679 = arith.index_cast %mul3A_675 : i32 to index
        %swap3A_680 = tpu.vector_load %arg7[%swap3A_679] {strides = array<i32>} : memref<2048xf32, #tpu.memory_space<vmem>>, vector<16xf32>,
        tpu.vector_store %arg7[%swap3A_679], %mul3A_678 {strides = array<i32>} : memref<2048xf32, #tpu.memory_space<vmem>>, vector<16xf32>,
        %add3A_681 = arith.constant 256 : i32
        %add3A_682 = vector.broadcast %add3A_681 : i32 to vector<16xi32>
        %add3A_683 = arith.addi %scan3A_666, %add3A_682 : vector<16xi32>
        scf.yield %add3A_683 : vector<16xi32>
      }
      %scan3A_196 = arith.constant 128 : i32
      %broadcast_in_dim3A_197 = arith.constant 20 : i32
      %broadcast_in_dim3A_198 = vector.broadcast %broadcast_in_dim3A_197 : i32 to vector<16xi32>
      %gather3A_199 = tpu.vector_load_idx %arg8[%broadcast_in_dim3A_198] : memref<96xf32, #tpu.memory_space<vmem>>[vector<16xi32>], vector<16xf32>,
      %broadcast_in_dim3A_200 = arith.constant 36 : i32
      %broadcast_in_dim3A_201 = vector.broadcast %broadcast_in_dim3A_200 : i32 to vector<16xi32>
      %gather3A_202 = tpu.vector_load_idx %arg8[%broadcast_in_dim3A_201] : memref<96xf32, #tpu.memory_space<vmem>>[vector<16xi32>], vector<16xf32>,
      %broadcast_in_dim3A_203 = arith.constant 52 : i32
      %broadcast_in_dim3A_204 = vector.broadcast %broadcast_in_dim3A_203 : i32 to vector<16xi32>
      %gather3A_205 = tpu.vector_load_idx %arg8[%broadcast_in_dim3A_204] : memref<96xf32, #tpu.memory_space<vmem>>[vector<16xi32>], vector<16xf32>,
      %broadcast_in_dim3A_206 = arith.constant 68 : i32
      %broadcast_in_dim3A_207 = vector.broadcast %broadcast_in_dim3A_206 : i32 to vector<16xi32>
      %gather3A_208 = tpu.vector_load_idx %arg8[%broadcast_in_dim3A_207] : memref<96xf32, #tpu.memory_space<vmem>>[vector<16xi32>], vector<16xf32>,
      %broadcast_in_dim3A_209 = arith.constant 4 : i32
      %broadcast_in_dim3A_210 = vector.broadcast %broadcast_in_dim3A_209 : i32 to vector<16xi32>
      %gather3A_211 = tpu.vector_load_idx %arg10[%broadcast_in_dim3A_210] : memref<80xf32, #tpu.memory_space<vmem>>[vector<16xi32>], vector<16xf32>,
      %broadcast_in_dim3A_212 = arith.constant 20 : i32
      %broadcast_in_dim3A_213 = vector.broadcast %broadcast_in_dim3A_212 : i32 to vector<16xi32>
      %gather3A_214 = tpu.vector_load_idx %arg10[%broadcast_in_dim3A_213] : memref<80xf32, #tpu.memory_space<vmem>>[vector<16xi32>], vector<16xf32>,
      %broadcast_in_dim3A_215 = arith.constant 36 : i32
      %broadcast_in_dim3A_216 = vector.broadcast %broadcast_in_dim3A_215 : i32 to vector<16xi32>
      %gather3A_217 = tpu.vector_load_idx %arg10[%broadcast_in_dim3A_216] : memref<80xf32, #tpu.memory_space<vmem>>[vector<16xi32>], vector<16xf32>,
      %broadcast_in_dim3A_218 = arith.constant 52 : i32
      %broadcast_in_dim3A_219 = vector.broadcast %broadcast_in_dim3A_218 : i32 to vector<16xi32>
      %gather3A_220 = tpu.vector_load_idx %arg10[%broadcast_in_dim3A_219] : memref<80xf32, #tpu.memory_space<vmem>>[vector<16xi32>], vector<16xf32>,
      %broadcast_in_dim3A_221 = arith.constant 68 : i32
      %broadcast_in_dim3A_222 = vector.broadcast %broadcast_in_dim3A_221 : i32 to vector<16xi32>
      %gather3A_223 = tpu.vector_load_idx %arg10[%broadcast_in_dim3A_222] : memref<80xf32, #tpu.memory_space<vmem>>[vector<16xi32>], vector<16xf32>,
      %mul3A_224 = arith.constant 16 : i32
      %mul3A_225 = vector.broadcast %mul3A_224 : i32 to vector<16xi32>
      %mul3A_226 = arith.muli %iota3A, %mul3A_225 : vector<16xi32>
      %add3A_227 = arith.constant 4 : i32
      %add3A_228 = vector.broadcast %add3A_227 : i32 to vector<16xi32>
      %add3A_229 = arith.addi %mul3A_226, %add3A_228 : vector<16xi32>
      %scan3A_230 = arith.constant 0 : i32
      %scan3A_231 = arith.constant 128 : i32
      %scan3A_232 = arith.addi %scan3A_230, %scan3A_231 : i32
      %scan3A_233 = arith.constant 1 : i32
      %scan3A_234 = scf.for %scan3A_665 = %scan3A_230 to %scan3A_232 step %scan3A_233 iter_args(%scan3A_666 = %add3A_229) -> (vector<16xi32>)  : i32 {
        %gather3A_667 = tpu.vector_load_idx %arg6[%scan3A_666] : memref<32768xf32, #tpu.memory_space<vmem>>[vector<16xi32>], vector<16xf32>,
        %ge3A = arith.cmpf oge, %gather3A_667, %gather3A_199 : vector<16xf32>
        %select_n3A = arith.select %ge3A, %gather3A_214, %gather3A_211 : vector<16xi1>, vector<16xf32>
        %ge3A_668 = arith.cmpf oge, %gather3A_667, %gather3A_202 : vector<16xf32>
        %select_n3A_669 = arith.select %ge3A_668, %gather3A_217, %select_n3A : vector<16xi1>, vector<16xf32>
        %ge3A_670 = arith.cmpf oge, %gather3A_667, %gather3A_205 : vector<16xf32>
        %select_n3A_671 = arith.select %ge3A_670, %gather3A_220, %select_n3A_669 : vector<16xi1>, vector<16xf32>
        %ge3A_672 = arith.cmpf oge, %gather3A_667, %gather3A_208 : vector<16xf32>
        %select_n3A_673 = arith.select %ge3A_672, %gather3A_223, %select_n3A_671 : vector<16xi1>, vector<16xf32>
        %mul3A_674 = arith.constant 16 : i32
        %mul3A_675 = arith.muli %scan3A_665, %mul3A_674 : i32
        %get3A_676 = arith.index_cast %mul3A_675 : i32 to index
        %get3A_677 = tpu.vector_load %arg7[%get3A_676] {strides = array<i32>} : memref<2048xf32, #tpu.memory_space<vmem>>, vector<16xf32>,
        %mul3A_678 = arith.mulf %get3A_677, %select_n3A_673 : vector<16xf32>
        %swap3A_679 = arith.index_cast %mul3A_675 : i32 to index
        %swap3A_680 = tpu.vector_load %arg7[%swap3A_679] {strides = array<i32>} : memref<2048xf32, #tpu.memory_space<vmem>>, vector<16xf32>,
        tpu.vector_store %arg7[%swap3A_679], %mul3A_678 {strides = array<i32>} : memref<2048xf32, #tpu.memory_space<vmem>>, vector<16xf32>,
        %add3A_681 = arith.constant 256 : i32
        %add3A_682 = vector.broadcast %add3A_681 : i32 to vector<16xi32>
        %add3A_683 = arith.addi %scan3A_666, %add3A_682 : vector<16xi32>
        scf.yield %add3A_683 : vector<16xi32>
      }
      %scan3A_235 = arith.constant 128 : i32
      %broadcast_in_dim3A_236 = arith.constant 21 : i32
      %broadcast_in_dim3A_237 = vector.broadcast %broadcast_in_dim3A_236 : i32 to vector<16xi32>
      %gather3A_238 = tpu.vector_load_idx %arg8[%broadcast_in_dim3A_237] : memref<96xf32, #tpu.memory_space<vmem>>[vector<16xi32>], vector<16xf32>,
      %broadcast_in_dim3A_239 = arith.constant 37 : i32
      %broadcast_in_dim3A_240 = vector.broadcast %broadcast_in_dim3A_239 : i32 to vector<16xi32>
      %gather3A_241 = tpu.vector_load_idx %arg8[%broadcast_in_dim3A_240] : memref<96xf32, #tpu.memory_space<vmem>>[vector<16xi32>], vector<16xf32>,
      %broadcast_in_dim3A_242 = arith.constant 53 : i32
      %broadcast_in_dim3A_243 = vector.broadcast %broadcast_in_dim3A_242 : i32 to vector<16xi32>
      %gather3A_244 = tpu.vector_load_idx %arg8[%broadcast_in_dim3A_243] : memref<96xf32, #tpu.memory_space<vmem>>[vector<16xi32>], vector<16xf32>,
      %broadcast_in_dim3A_245 = arith.constant 69 : i32
      %broadcast_in_dim3A_246 = vector.broadcast %broadcast_in_dim3A_245 : i32 to vector<16xi32>
      %gather3A_247 = tpu.vector_load_idx %arg8[%broadcast_in_dim3A_246] : memref<96xf32, #tpu.memory_space<vmem>>[vector<16xi32>], vector<16xf32>,
      %broadcast_in_dim3A_248 = arith.constant 5 : i32
      %broadcast_in_dim3A_249 = vector.broadcast %broadcast_in_dim3A_248 : i32 to vector<16xi32>
      %gather3A_250 = tpu.vector_load_idx %arg10[%broadcast_in_dim3A_249] : memref<80xf32, #tpu.memory_space<vmem>>[vector<16xi32>], vector<16xf32>,
      %broadcast_in_dim3A_251 = arith.constant 21 : i32
      %broadcast_in_dim3A_252 = vector.broadcast %broadcast_in_dim3A_251 : i32 to vector<16xi32>
      %gather3A_253 = tpu.vector_load_idx %arg10[%broadcast_in_dim3A_252] : memref<80xf32, #tpu.memory_space<vmem>>[vector<16xi32>], vector<16xf32>,
      %broadcast_in_dim3A_254 = arith.constant 37 : i32
      %broadcast_in_dim3A_255 = vector.broadcast %broadcast_in_dim3A_254 : i32 to vector<16xi32>
      %gather3A_256 = tpu.vector_load_idx %arg10[%broadcast_in_dim3A_255] : memref<80xf32, #tpu.memory_space<vmem>>[vector<16xi32>], vector<16xf32>,
      %broadcast_in_dim3A_257 = arith.constant 53 : i32
      %broadcast_in_dim3A_258 = vector.broadcast %broadcast_in_dim3A_257 : i32 to vector<16xi32>
      %gather3A_259 = tpu.vector_load_idx %arg10[%broadcast_in_dim3A_258] : memref<80xf32, #tpu.memory_space<vmem>>[vector<16xi32>], vector<16xf32>,
      %broadcast_in_dim3A_260 = arith.constant 69 : i32
      %broadcast_in_dim3A_261 = vector.broadcast %broadcast_in_dim3A_260 : i32 to vector<16xi32>
      %gather3A_262 = tpu.vector_load_idx %arg10[%broadcast_in_dim3A_261] : memref<80xf32, #tpu.memory_space<vmem>>[vector<16xi32>], vector<16xf32>,
      %mul3A_263 = arith.constant 16 : i32
      %mul3A_264 = vector.broadcast %mul3A_263 : i32 to vector<16xi32>
      %mul3A_265 = arith.muli %iota3A, %mul3A_264 : vector<16xi32>
      %add3A_266 = arith.constant 5 : i32
      %add3A_267 = vector.broadcast %add3A_266 : i32 to vector<16xi32>
      %add3A_268 = arith.addi %mul3A_265, %add3A_267 : vector<16xi32>
      %scan3A_269 = arith.constant 0 : i32
      %scan3A_270 = arith.constant 128 : i32
      %scan3A_271 = arith.addi %scan3A_269, %scan3A_270 : i32
      %scan3A_272 = arith.constant 1 : i32
      %scan3A_273 = scf.for %scan3A_665 = %scan3A_269 to %scan3A_271 step %scan3A_272 iter_args(%scan3A_666 = %add3A_268) -> (vector<16xi32>)  : i32 {
        %gather3A_667 = tpu.vector_load_idx %arg6[%scan3A_666] : memref<32768xf32, #tpu.memory_space<vmem>>[vector<16xi32>], vector<16xf32>,
        %ge3A = arith.cmpf oge, %gather3A_667, %gather3A_238 : vector<16xf32>
        %select_n3A = arith.select %ge3A, %gather3A_253, %gather3A_250 : vector<16xi1>, vector<16xf32>
        %ge3A_668 = arith.cmpf oge, %gather3A_667, %gather3A_241 : vector<16xf32>
        %select_n3A_669 = arith.select %ge3A_668, %gather3A_256, %select_n3A : vector<16xi1>, vector<16xf32>
        %ge3A_670 = arith.cmpf oge, %gather3A_667, %gather3A_244 : vector<16xf32>
        %select_n3A_671 = arith.select %ge3A_670, %gather3A_259, %select_n3A_669 : vector<16xi1>, vector<16xf32>
        %ge3A_672 = arith.cmpf oge, %gather3A_667, %gather3A_247 : vector<16xf32>
        %select_n3A_673 = arith.select %ge3A_672, %gather3A_262, %select_n3A_671 : vector<16xi1>, vector<16xf32>
        %mul3A_674 = arith.constant 16 : i32
        %mul3A_675 = arith.muli %scan3A_665, %mul3A_674 : i32
        %get3A_676 = arith.index_cast %mul3A_675 : i32 to index
        %get3A_677 = tpu.vector_load %arg7[%get3A_676] {strides = array<i32>} : memref<2048xf32, #tpu.memory_space<vmem>>, vector<16xf32>,
        %mul3A_678 = arith.mulf %get3A_677, %select_n3A_673 : vector<16xf32>
        %swap3A_679 = arith.index_cast %mul3A_675 : i32 to index
        %swap3A_680 = tpu.vector_load %arg7[%swap3A_679] {strides = array<i32>} : memref<2048xf32, #tpu.memory_space<vmem>>, vector<16xf32>,
        tpu.vector_store %arg7[%swap3A_679], %mul3A_678 {strides = array<i32>} : memref<2048xf32, #tpu.memory_space<vmem>>, vector<16xf32>,
        %add3A_681 = arith.constant 256 : i32
        %add3A_682 = vector.broadcast %add3A_681 : i32 to vector<16xi32>
        %add3A_683 = arith.addi %scan3A_666, %add3A_682 : vector<16xi32>
        scf.yield %add3A_683 : vector<16xi32>
      }
      %scan3A_274 = arith.constant 128 : i32
      %broadcast_in_dim3A_275 = arith.constant 22 : i32
      %broadcast_in_dim3A_276 = vector.broadcast %broadcast_in_dim3A_275 : i32 to vector<16xi32>
      %gather3A_277 = tpu.vector_load_idx %arg8[%broadcast_in_dim3A_276] : memref<96xf32, #tpu.memory_space<vmem>>[vector<16xi32>], vector<16xf32>,
      %broadcast_in_dim3A_278 = arith.constant 38 : i32
      %broadcast_in_dim3A_279 = vector.broadcast %broadcast_in_dim3A_278 : i32 to vector<16xi32>
      %gather3A_280 = tpu.vector_load_idx %arg8[%broadcast_in_dim3A_279] : memref<96xf32, #tpu.memory_space<vmem>>[vector<16xi32>], vector<16xf32>,
      %broadcast_in_dim3A_281 = arith.constant 54 : i32
      %broadcast_in_dim3A_282 = vector.broadcast %broadcast_in_dim3A_281 : i32 to vector<16xi32>
      %gather3A_283 = tpu.vector_load_idx %arg8[%broadcast_in_dim3A_282] : memref<96xf32, #tpu.memory_space<vmem>>[vector<16xi32>], vector<16xf32>,
      %broadcast_in_dim3A_284 = arith.constant 70 : i32
      %broadcast_in_dim3A_285 = vector.broadcast %broadcast_in_dim3A_284 : i32 to vector<16xi32>
      %gather3A_286 = tpu.vector_load_idx %arg8[%broadcast_in_dim3A_285] : memref<96xf32, #tpu.memory_space<vmem>>[vector<16xi32>], vector<16xf32>,
      %broadcast_in_dim3A_287 = arith.constant 6 : i32
      %broadcast_in_dim3A_288 = vector.broadcast %broadcast_in_dim3A_287 : i32 to vector<16xi32>
      %gather3A_289 = tpu.vector_load_idx %arg10[%broadcast_in_dim3A_288] : memref<80xf32, #tpu.memory_space<vmem>>[vector<16xi32>], vector<16xf32>,
      %broadcast_in_dim3A_290 = arith.constant 22 : i32
      %broadcast_in_dim3A_291 = vector.broadcast %broadcast_in_dim3A_290 : i32 to vector<16xi32>
      %gather3A_292 = tpu.vector_load_idx %arg10[%broadcast_in_dim3A_291] : memref<80xf32, #tpu.memory_space<vmem>>[vector<16xi32>], vector<16xf32>,
      %broadcast_in_dim3A_293 = arith.constant 38 : i32
      %broadcast_in_dim3A_294 = vector.broadcast %broadcast_in_dim3A_293 : i32 to vector<16xi32>
      %gather3A_295 = tpu.vector_load_idx %arg10[%broadcast_in_dim3A_294] : memref<80xf32, #tpu.memory_space<vmem>>[vector<16xi32>], vector<16xf32>,
      %broadcast_in_dim3A_296 = arith.constant 54 : i32
      %broadcast_in_dim3A_297 = vector.broadcast %broadcast_in_dim3A_296 : i32 to vector<16xi32>
      %gather3A_298 = tpu.vector_load_idx %arg10[%broadcast_in_dim3A_297] : memref<80xf32, #tpu.memory_space<vmem>>[vector<16xi32>], vector<16xf32>,
      %broadcast_in_dim3A_299 = arith.constant 70 : i32
      %broadcast_in_dim3A_300 = vector.broadcast %broadcast_in_dim3A_299 : i32 to vector<16xi32>
      %gather3A_301 = tpu.vector_load_idx %arg10[%broadcast_in_dim3A_300] : memref<80xf32, #tpu.memory_space<vmem>>[vector<16xi32>], vector<16xf32>,
      %mul3A_302 = arith.constant 16 : i32
      %mul3A_303 = vector.broadcast %mul3A_302 : i32 to vector<16xi32>
      %mul3A_304 = arith.muli %iota3A, %mul3A_303 : vector<16xi32>
      %add3A_305 = arith.constant 6 : i32
      %add3A_306 = vector.broadcast %add3A_305 : i32 to vector<16xi32>
      %add3A_307 = arith.addi %mul3A_304, %add3A_306 : vector<16xi32>
      %scan3A_308 = arith.constant 0 : i32
      %scan3A_309 = arith.constant 128 : i32
      %scan3A_310 = arith.addi %scan3A_308, %scan3A_309 : i32
      %scan3A_311 = arith.constant 1 : i32
      %scan3A_312 = scf.for %scan3A_665 = %scan3A_308 to %scan3A_310 step %scan3A_311 iter_args(%scan3A_666 = %add3A_307) -> (vector<16xi32>)  : i32 {
        %gather3A_667 = tpu.vector_load_idx %arg6[%scan3A_666] : memref<32768xf32, #tpu.memory_space<vmem>>[vector<16xi32>], vector<16xf32>,
        %ge3A = arith.cmpf oge, %gather3A_667, %gather3A_277 : vector<16xf32>
        %select_n3A = arith.select %ge3A, %gather3A_292, %gather3A_289 : vector<16xi1>, vector<16xf32>
        %ge3A_668 = arith.cmpf oge, %gather3A_667, %gather3A_280 : vector<16xf32>
        %select_n3A_669 = arith.select %ge3A_668, %gather3A_295, %select_n3A : vector<16xi1>, vector<16xf32>
        %ge3A_670 = arith.cmpf oge, %gather3A_667, %gather3A_283 : vector<16xf32>
        %select_n3A_671 = arith.select %ge3A_670, %gather3A_298, %select_n3A_669 : vector<16xi1>, vector<16xf32>
        %ge3A_672 = arith.cmpf oge, %gather3A_667, %gather3A_286 : vector<16xf32>
        %select_n3A_673 = arith.select %ge3A_672, %gather3A_301, %select_n3A_671 : vector<16xi1>, vector<16xf32>
        %mul3A_674 = arith.constant 16 : i32
        %mul3A_675 = arith.muli %scan3A_665, %mul3A_674 : i32
        %get3A_676 = arith.index_cast %mul3A_675 : i32 to index
        %get3A_677 = tpu.vector_load %arg7[%get3A_676] {strides = array<i32>} : memref<2048xf32, #tpu.memory_space<vmem>>, vector<16xf32>,
        %mul3A_678 = arith.mulf %get3A_677, %select_n3A_673 : vector<16xf32>
        %swap3A_679 = arith.index_cast %mul3A_675 : i32 to index
        %swap3A_680 = tpu.vector_load %arg7[%swap3A_679] {strides = array<i32>} : memref<2048xf32, #tpu.memory_space<vmem>>, vector<16xf32>,
        tpu.vector_store %arg7[%swap3A_679], %mul3A_678 {strides = array<i32>} : memref<2048xf32, #tpu.memory_space<vmem>>, vector<16xf32>,
        %add3A_681 = arith.constant 256 : i32
        %add3A_682 = vector.broadcast %add3A_681 : i32 to vector<16xi32>
        %add3A_683 = arith.addi %scan3A_666, %add3A_682 : vector<16xi32>
        scf.yield %add3A_683 : vector<16xi32>
      }
      %scan3A_313 = arith.constant 128 : i32
      %broadcast_in_dim3A_314 = arith.constant 23 : i32
      %broadcast_in_dim3A_315 = vector.broadcast %broadcast_in_dim3A_314 : i32 to vector<16xi32>
      %gather3A_316 = tpu.vector_load_idx %arg8[%broadcast_in_dim3A_315] : memref<96xf32, #tpu.memory_space<vmem>>[vector<16xi32>], vector<16xf32>,
      %broadcast_in_dim3A_317 = arith.constant 39 : i32
      %broadcast_in_dim3A_318 = vector.broadcast %broadcast_in_dim3A_317 : i32 to vector<16xi32>
      %gather3A_319 = tpu.vector_load_idx %arg8[%broadcast_in_dim3A_318] : memref<96xf32, #tpu.memory_space<vmem>>[vector<16xi32>], vector<16xf32>,
      %broadcast_in_dim3A_320 = arith.constant 55 : i32
      %broadcast_in_dim3A_321 = vector.broadcast %broadcast_in_dim3A_320 : i32 to vector<16xi32>
      %gather3A_322 = tpu.vector_load_idx %arg8[%broadcast_in_dim3A_321] : memref<96xf32, #tpu.memory_space<vmem>>[vector<16xi32>], vector<16xf32>,
      %broadcast_in_dim3A_323 = arith.constant 71 : i32
      %broadcast_in_dim3A_324 = vector.broadcast %broadcast_in_dim3A_323 : i32 to vector<16xi32>
      %gather3A_325 = tpu.vector_load_idx %arg8[%broadcast_in_dim3A_324] : memref<96xf32, #tpu.memory_space<vmem>>[vector<16xi32>], vector<16xf32>,
      %broadcast_in_dim3A_326 = arith.constant 7 : i32
      %broadcast_in_dim3A_327 = vector.broadcast %broadcast_in_dim3A_326 : i32 to vector<16xi32>
      %gather3A_328 = tpu.vector_load_idx %arg10[%broadcast_in_dim3A_327] : memref<80xf32, #tpu.memory_space<vmem>>[vector<16xi32>], vector<16xf32>,
      %broadcast_in_dim3A_329 = arith.constant 23 : i32
      %broadcast_in_dim3A_330 = vector.broadcast %broadcast_in_dim3A_329 : i32 to vector<16xi32>
      %gather3A_331 = tpu.vector_load_idx %arg10[%broadcast_in_dim3A_330] : memref<80xf32, #tpu.memory_space<vmem>>[vector<16xi32>], vector<16xf32>,
      %broadcast_in_dim3A_332 = arith.constant 39 : i32
      %broadcast_in_dim3A_333 = vector.broadcast %broadcast_in_dim3A_332 : i32 to vector<16xi32>
      %gather3A_334 = tpu.vector_load_idx %arg10[%broadcast_in_dim3A_333] : memref<80xf32, #tpu.memory_space<vmem>>[vector<16xi32>], vector<16xf32>,
      %broadcast_in_dim3A_335 = arith.constant 55 : i32
      %broadcast_in_dim3A_336 = vector.broadcast %broadcast_in_dim3A_335 : i32 to vector<16xi32>
      %gather3A_337 = tpu.vector_load_idx %arg10[%broadcast_in_dim3A_336] : memref<80xf32, #tpu.memory_space<vmem>>[vector<16xi32>], vector<16xf32>,
      %broadcast_in_dim3A_338 = arith.constant 71 : i32
      %broadcast_in_dim3A_339 = vector.broadcast %broadcast_in_dim3A_338 : i32 to vector<16xi32>
      %gather3A_340 = tpu.vector_load_idx %arg10[%broadcast_in_dim3A_339] : memref<80xf32, #tpu.memory_space<vmem>>[vector<16xi32>], vector<16xf32>,
      %mul3A_341 = arith.constant 16 : i32
      %mul3A_342 = vector.broadcast %mul3A_341 : i32 to vector<16xi32>
      %mul3A_343 = arith.muli %iota3A, %mul3A_342 : vector<16xi32>
      %add3A_344 = arith.constant 7 : i32
      %add3A_345 = vector.broadcast %add3A_344 : i32 to vector<16xi32>
      %add3A_346 = arith.addi %mul3A_343, %add3A_345 : vector<16xi32>
      %scan3A_347 = arith.constant 0 : i32
      %scan3A_348 = arith.constant 128 : i32
      %scan3A_349 = arith.addi %scan3A_347, %scan3A_348 : i32
      %scan3A_350 = arith.constant 1 : i32
      %scan3A_351 = scf.for %scan3A_665 = %scan3A_347 to %scan3A_349 step %scan3A_350 iter_args(%scan3A_666 = %add3A_346) -> (vector<16xi32>)  : i32 {
        %gather3A_667 = tpu.vector_load_idx %arg6[%scan3A_666] : memref<32768xf32, #tpu.memory_space<vmem>>[vector<16xi32>], vector<16xf32>,
        %ge3A = arith.cmpf oge, %gather3A_667, %gather3A_316 : vector<16xf32>
        %select_n3A = arith.select %ge3A, %gather3A_331, %gather3A_328 : vector<16xi1>, vector<16xf32>
        %ge3A_668 = arith.cmpf oge, %gather3A_667, %gather3A_319 : vector<16xf32>
        %select_n3A_669 = arith.select %ge3A_668, %gather3A_334, %select_n3A : vector<16xi1>, vector<16xf32>
        %ge3A_670 = arith.cmpf oge, %gather3A_667, %gather3A_322 : vector<16xf32>
        %select_n3A_671 = arith.select %ge3A_670, %gather3A_337, %select_n3A_669 : vector<16xi1>, vector<16xf32>
        %ge3A_672 = arith.cmpf oge, %gather3A_667, %gather3A_325 : vector<16xf32>
        %select_n3A_673 = arith.select %ge3A_672, %gather3A_340, %select_n3A_671 : vector<16xi1>, vector<16xf32>
        %mul3A_674 = arith.constant 16 : i32
        %mul3A_675 = arith.muli %scan3A_665, %mul3A_674 : i32
        %get3A_676 = arith.index_cast %mul3A_675 : i32 to index
        %get3A_677 = tpu.vector_load %arg7[%get3A_676] {strides = array<i32>} : memref<2048xf32, #tpu.memory_space<vmem>>, vector<16xf32>,
        %mul3A_678 = arith.mulf %get3A_677, %select_n3A_673 : vector<16xf32>
        %swap3A_679 = arith.index_cast %mul3A_675 : i32 to index
        %swap3A_680 = tpu.vector_load %arg7[%swap3A_679] {strides = array<i32>} : memref<2048xf32, #tpu.memory_space<vmem>>, vector<16xf32>,
        tpu.vector_store %arg7[%swap3A_679], %mul3A_678 {strides = array<i32>} : memref<2048xf32, #tpu.memory_space<vmem>>, vector<16xf32>,
        %add3A_681 = arith.constant 256 : i32
        %add3A_682 = vector.broadcast %add3A_681 : i32 to vector<16xi32>
        %add3A_683 = arith.addi %scan3A_666, %add3A_682 : vector<16xi32>
        scf.yield %add3A_683 : vector<16xi32>
      }
      %scan3A_352 = arith.constant 128 : i32
      %broadcast_in_dim3A_353 = arith.constant 24 : i32
      %broadcast_in_dim3A_354 = vector.broadcast %broadcast_in_dim3A_353 : i32 to vector<16xi32>
      %gather3A_355 = tpu.vector_load_idx %arg8[%broadcast_in_dim3A_354] : memref<96xf32, #tpu.memory_space<vmem>>[vector<16xi32>], vector<16xf32>,
      %broadcast_in_dim3A_356 = arith.constant 40 : i32
      %broadcast_in_dim3A_357 = vector.broadcast %broadcast_in_dim3A_356 : i32 to vector<16xi32>
      %gather3A_358 = tpu.vector_load_idx %arg8[%broadcast_in_dim3A_357] : memref<96xf32, #tpu.memory_space<vmem>>[vector<16xi32>], vector<16xf32>,
      %broadcast_in_dim3A_359 = arith.constant 56 : i32
      %broadcast_in_dim3A_360 = vector.broadcast %broadcast_in_dim3A_359 : i32 to vector<16xi32>
      %gather3A_361 = tpu.vector_load_idx %arg8[%broadcast_in_dim3A_360] : memref<96xf32, #tpu.memory_space<vmem>>[vector<16xi32>], vector<16xf32>,
      %broadcast_in_dim3A_362 = arith.constant 72 : i32
      %broadcast_in_dim3A_363 = vector.broadcast %broadcast_in_dim3A_362 : i32 to vector<16xi32>
      %gather3A_364 = tpu.vector_load_idx %arg8[%broadcast_in_dim3A_363] : memref<96xf32, #tpu.memory_space<vmem>>[vector<16xi32>], vector<16xf32>,
      %broadcast_in_dim3A_365 = arith.constant 8 : i32
      %broadcast_in_dim3A_366 = vector.broadcast %broadcast_in_dim3A_365 : i32 to vector<16xi32>
      %gather3A_367 = tpu.vector_load_idx %arg10[%broadcast_in_dim3A_366] : memref<80xf32, #tpu.memory_space<vmem>>[vector<16xi32>], vector<16xf32>,
      %broadcast_in_dim3A_368 = arith.constant 24 : i32
      %broadcast_in_dim3A_369 = vector.broadcast %broadcast_in_dim3A_368 : i32 to vector<16xi32>
      %gather3A_370 = tpu.vector_load_idx %arg10[%broadcast_in_dim3A_369] : memref<80xf32, #tpu.memory_space<vmem>>[vector<16xi32>], vector<16xf32>,
      %broadcast_in_dim3A_371 = arith.constant 40 : i32
      %broadcast_in_dim3A_372 = vector.broadcast %broadcast_in_dim3A_371 : i32 to vector<16xi32>
      %gather3A_373 = tpu.vector_load_idx %arg10[%broadcast_in_dim3A_372] : memref<80xf32, #tpu.memory_space<vmem>>[vector<16xi32>], vector<16xf32>,
      %broadcast_in_dim3A_374 = arith.constant 56 : i32
      %broadcast_in_dim3A_375 = vector.broadcast %broadcast_in_dim3A_374 : i32 to vector<16xi32>
      %gather3A_376 = tpu.vector_load_idx %arg10[%broadcast_in_dim3A_375] : memref<80xf32, #tpu.memory_space<vmem>>[vector<16xi32>], vector<16xf32>,
      %broadcast_in_dim3A_377 = arith.constant 72 : i32
      %broadcast_in_dim3A_378 = vector.broadcast %broadcast_in_dim3A_377 : i32 to vector<16xi32>
      %gather3A_379 = tpu.vector_load_idx %arg10[%broadcast_in_dim3A_378] : memref<80xf32, #tpu.memory_space<vmem>>[vector<16xi32>], vector<16xf32>,
      %mul3A_380 = arith.constant 16 : i32
      %mul3A_381 = vector.broadcast %mul3A_380 : i32 to vector<16xi32>
      %mul3A_382 = arith.muli %iota3A, %mul3A_381 : vector<16xi32>
      %add3A_383 = arith.constant 8 : i32
      %add3A_384 = vector.broadcast %add3A_383 : i32 to vector<16xi32>
      %add3A_385 = arith.addi %mul3A_382, %add3A_384 : vector<16xi32>
      %scan3A_386 = arith.constant 0 : i32
      %scan3A_387 = arith.constant 128 : i32
      %scan3A_388 = arith.addi %scan3A_386, %scan3A_387 : i32
      %scan3A_389 = arith.constant 1 : i32
      %scan3A_390 = scf.for %scan3A_665 = %scan3A_386 to %scan3A_388 step %scan3A_389 iter_args(%scan3A_666 = %add3A_385) -> (vector<16xi32>)  : i32 {
        %gather3A_667 = tpu.vector_load_idx %arg6[%scan3A_666] : memref<32768xf32, #tpu.memory_space<vmem>>[vector<16xi32>], vector<16xf32>,
        %ge3A = arith.cmpf oge, %gather3A_667, %gather3A_355 : vector<16xf32>
        %select_n3A = arith.select %ge3A, %gather3A_370, %gather3A_367 : vector<16xi1>, vector<16xf32>
        %ge3A_668 = arith.cmpf oge, %gather3A_667, %gather3A_358 : vector<16xf32>
        %select_n3A_669 = arith.select %ge3A_668, %gather3A_373, %select_n3A : vector<16xi1>, vector<16xf32>
        %ge3A_670 = arith.cmpf oge, %gather3A_667, %gather3A_361 : vector<16xf32>
        %select_n3A_671 = arith.select %ge3A_670, %gather3A_376, %select_n3A_669 : vector<16xi1>, vector<16xf32>
        %ge3A_672 = arith.cmpf oge, %gather3A_667, %gather3A_364 : vector<16xf32>
        %select_n3A_673 = arith.select %ge3A_672, %gather3A_379, %select_n3A_671 : vector<16xi1>, vector<16xf32>
        %mul3A_674 = arith.constant 16 : i32
        %mul3A_675 = arith.muli %scan3A_665, %mul3A_674 : i32
        %get3A_676 = arith.index_cast %mul3A_675 : i32 to index
        %get3A_677 = tpu.vector_load %arg7[%get3A_676] {strides = array<i32>} : memref<2048xf32, #tpu.memory_space<vmem>>, vector<16xf32>,
        %mul3A_678 = arith.mulf %get3A_677, %select_n3A_673 : vector<16xf32>
        %swap3A_679 = arith.index_cast %mul3A_675 : i32 to index
        %swap3A_680 = tpu.vector_load %arg7[%swap3A_679] {strides = array<i32>} : memref<2048xf32, #tpu.memory_space<vmem>>, vector<16xf32>,
        tpu.vector_store %arg7[%swap3A_679], %mul3A_678 {strides = array<i32>} : memref<2048xf32, #tpu.memory_space<vmem>>, vector<16xf32>,
        %add3A_681 = arith.constant 256 : i32
        %add3A_682 = vector.broadcast %add3A_681 : i32 to vector<16xi32>
        %add3A_683 = arith.addi %scan3A_666, %add3A_682 : vector<16xi32>
        scf.yield %add3A_683 : vector<16xi32>
      }
      %scan3A_391 = arith.constant 128 : i32
      %broadcast_in_dim3A_392 = arith.constant 25 : i32
      %broadcast_in_dim3A_393 = vector.broadcast %broadcast_in_dim3A_392 : i32 to vector<16xi32>
      %gather3A_394 = tpu.vector_load_idx %arg8[%broadcast_in_dim3A_393] : memref<96xf32, #tpu.memory_space<vmem>>[vector<16xi32>], vector<16xf32>,
      %broadcast_in_dim3A_395 = arith.constant 41 : i32
      %broadcast_in_dim3A_396 = vector.broadcast %broadcast_in_dim3A_395 : i32 to vector<16xi32>
      %gather3A_397 = tpu.vector_load_idx %arg8[%broadcast_in_dim3A_396] : memref<96xf32, #tpu.memory_space<vmem>>[vector<16xi32>], vector<16xf32>,
      %broadcast_in_dim3A_398 = arith.constant 57 : i32
      %broadcast_in_dim3A_399 = vector.broadcast %broadcast_in_dim3A_398 : i32 to vector<16xi32>
      %gather3A_400 = tpu.vector_load_idx %arg8[%broadcast_in_dim3A_399] : memref<96xf32, #tpu.memory_space<vmem>>[vector<16xi32>], vector<16xf32>,
      %broadcast_in_dim3A_401 = arith.constant 73 : i32
      %broadcast_in_dim3A_402 = vector.broadcast %broadcast_in_dim3A_401 : i32 to vector<16xi32>
      %gather3A_403 = tpu.vector_load_idx %arg8[%broadcast_in_dim3A_402] : memref<96xf32, #tpu.memory_space<vmem>>[vector<16xi32>], vector<16xf32>,
      %broadcast_in_dim3A_404 = arith.constant 9 : i32
      %broadcast_in_dim3A_405 = vector.broadcast %broadcast_in_dim3A_404 : i32 to vector<16xi32>
      %gather3A_406 = tpu.vector_load_idx %arg10[%broadcast_in_dim3A_405] : memref<80xf32, #tpu.memory_space<vmem>>[vector<16xi32>], vector<16xf32>,
      %broadcast_in_dim3A_407 = arith.constant 25 : i32
      %broadcast_in_dim3A_408 = vector.broadcast %broadcast_in_dim3A_407 : i32 to vector<16xi32>
      %gather3A_409 = tpu.vector_load_idx %arg10[%broadcast_in_dim3A_408] : memref<80xf32, #tpu.memory_space<vmem>>[vector<16xi32>], vector<16xf32>,
      %broadcast_in_dim3A_410 = arith.constant 41 : i32
      %broadcast_in_dim3A_411 = vector.broadcast %broadcast_in_dim3A_410 : i32 to vector<16xi32>
      %gather3A_412 = tpu.vector_load_idx %arg10[%broadcast_in_dim3A_411] : memref<80xf32, #tpu.memory_space<vmem>>[vector<16xi32>], vector<16xf32>,
      %broadcast_in_dim3A_413 = arith.constant 57 : i32
      %broadcast_in_dim3A_414 = vector.broadcast %broadcast_in_dim3A_413 : i32 to vector<16xi32>
      %gather3A_415 = tpu.vector_load_idx %arg10[%broadcast_in_dim3A_414] : memref<80xf32, #tpu.memory_space<vmem>>[vector<16xi32>], vector<16xf32>,
      %broadcast_in_dim3A_416 = arith.constant 73 : i32
      %broadcast_in_dim3A_417 = vector.broadcast %broadcast_in_dim3A_416 : i32 to vector<16xi32>
      %gather3A_418 = tpu.vector_load_idx %arg10[%broadcast_in_dim3A_417] : memref<80xf32, #tpu.memory_space<vmem>>[vector<16xi32>], vector<16xf32>,
      %mul3A_419 = arith.constant 16 : i32
      %mul3A_420 = vector.broadcast %mul3A_419 : i32 to vector<16xi32>
      %mul3A_421 = arith.muli %iota3A, %mul3A_420 : vector<16xi32>
      %add3A_422 = arith.constant 9 : i32
      %add3A_423 = vector.broadcast %add3A_422 : i32 to vector<16xi32>
      %add3A_424 = arith.addi %mul3A_421, %add3A_423 : vector<16xi32>
      %scan3A_425 = arith.constant 0 : i32
      %scan3A_426 = arith.constant 128 : i32
      %scan3A_427 = arith.addi %scan3A_425, %scan3A_426 : i32
      %scan3A_428 = arith.constant 1 : i32
      %scan3A_429 = scf.for %scan3A_665 = %scan3A_425 to %scan3A_427 step %scan3A_428 iter_args(%scan3A_666 = %add3A_424) -> (vector<16xi32>)  : i32 {
        %gather3A_667 = tpu.vector_load_idx %arg6[%scan3A_666] : memref<32768xf32, #tpu.memory_space<vmem>>[vector<16xi32>], vector<16xf32>,
        %ge3A = arith.cmpf oge, %gather3A_667, %gather3A_394 : vector<16xf32>
        %select_n3A = arith.select %ge3A, %gather3A_409, %gather3A_406 : vector<16xi1>, vector<16xf32>
        %ge3A_668 = arith.cmpf oge, %gather3A_667, %gather3A_397 : vector<16xf32>
        %select_n3A_669 = arith.select %ge3A_668, %gather3A_412, %select_n3A : vector<16xi1>, vector<16xf32>
        %ge3A_670 = arith.cmpf oge, %gather3A_667, %gather3A_400 : vector<16xf32>
        %select_n3A_671 = arith.select %ge3A_670, %gather3A_415, %select_n3A_669 : vector<16xi1>, vector<16xf32>
        %ge3A_672 = arith.cmpf oge, %gather3A_667, %gather3A_403 : vector<16xf32>
        %select_n3A_673 = arith.select %ge3A_672, %gather3A_418, %select_n3A_671 : vector<16xi1>, vector<16xf32>
        %mul3A_674 = arith.constant 16 : i32
        %mul3A_675 = arith.muli %scan3A_665, %mul3A_674 : i32
        %get3A_676 = arith.index_cast %mul3A_675 : i32 to index
        %get3A_677 = tpu.vector_load %arg7[%get3A_676] {strides = array<i32>} : memref<2048xf32, #tpu.memory_space<vmem>>, vector<16xf32>,
        %mul3A_678 = arith.mulf %get3A_677, %select_n3A_673 : vector<16xf32>
        %swap3A_679 = arith.index_cast %mul3A_675 : i32 to index
        %swap3A_680 = tpu.vector_load %arg7[%swap3A_679] {strides = array<i32>} : memref<2048xf32, #tpu.memory_space<vmem>>, vector<16xf32>,
        tpu.vector_store %arg7[%swap3A_679], %mul3A_678 {strides = array<i32>} : memref<2048xf32, #tpu.memory_space<vmem>>, vector<16xf32>,
        %add3A_681 = arith.constant 256 : i32
        %add3A_682 = vector.broadcast %add3A_681 : i32 to vector<16xi32>
        %add3A_683 = arith.addi %scan3A_666, %add3A_682 : vector<16xi32>
        scf.yield %add3A_683 : vector<16xi32>
      }
      %scan3A_430 = arith.constant 128 : i32
      %broadcast_in_dim3A_431 = arith.constant 26 : i32
      %broadcast_in_dim3A_432 = vector.broadcast %broadcast_in_dim3A_431 : i32 to vector<16xi32>
      %gather3A_433 = tpu.vector_load_idx %arg8[%broadcast_in_dim3A_432] : memref<96xf32, #tpu.memory_space<vmem>>[vector<16xi32>], vector<16xf32>,
      %broadcast_in_dim3A_434 = arith.constant 42 : i32
      %broadcast_in_dim3A_435 = vector.broadcast %broadcast_in_dim3A_434 : i32 to vector<16xi32>
      %gather3A_436 = tpu.vector_load_idx %arg8[%broadcast_in_dim3A_435] : memref<96xf32, #tpu.memory_space<vmem>>[vector<16xi32>], vector<16xf32>,
      %broadcast_in_dim3A_437 = arith.constant 58 : i32
      %broadcast_in_dim3A_438 = vector.broadcast %broadcast_in_dim3A_437 : i32 to vector<16xi32>
      %gather3A_439 = tpu.vector_load_idx %arg8[%broadcast_in_dim3A_438] : memref<96xf32, #tpu.memory_space<vmem>>[vector<16xi32>], vector<16xf32>,
      %broadcast_in_dim3A_440 = arith.constant 74 : i32
      %broadcast_in_dim3A_441 = vector.broadcast %broadcast_in_dim3A_440 : i32 to vector<16xi32>
      %gather3A_442 = tpu.vector_load_idx %arg8[%broadcast_in_dim3A_441] : memref<96xf32, #tpu.memory_space<vmem>>[vector<16xi32>], vector<16xf32>,
      %broadcast_in_dim3A_443 = arith.constant 10 : i32
      %broadcast_in_dim3A_444 = vector.broadcast %broadcast_in_dim3A_443 : i32 to vector<16xi32>
      %gather3A_445 = tpu.vector_load_idx %arg10[%broadcast_in_dim3A_444] : memref<80xf32, #tpu.memory_space<vmem>>[vector<16xi32>], vector<16xf32>,
      %broadcast_in_dim3A_446 = arith.constant 26 : i32
      %broadcast_in_dim3A_447 = vector.broadcast %broadcast_in_dim3A_446 : i32 to vector<16xi32>
      %gather3A_448 = tpu.vector_load_idx %arg10[%broadcast_in_dim3A_447] : memref<80xf32, #tpu.memory_space<vmem>>[vector<16xi32>], vector<16xf32>,
      %broadcast_in_dim3A_449 = arith.constant 42 : i32
      %broadcast_in_dim3A_450 = vector.broadcast %broadcast_in_dim3A_449 : i32 to vector<16xi32>
      %gather3A_451 = tpu.vector_load_idx %arg10[%broadcast_in_dim3A_450] : memref<80xf32, #tpu.memory_space<vmem>>[vector<16xi32>], vector<16xf32>,
      %broadcast_in_dim3A_452 = arith.constant 58 : i32
      %broadcast_in_dim3A_453 = vector.broadcast %broadcast_in_dim3A_452 : i32 to vector<16xi32>
      %gather3A_454 = tpu.vector_load_idx %arg10[%broadcast_in_dim3A_453] : memref<80xf32, #tpu.memory_space<vmem>>[vector<16xi32>], vector<16xf32>,
      %broadcast_in_dim3A_455 = arith.constant 74 : i32
      %broadcast_in_dim3A_456 = vector.broadcast %broadcast_in_dim3A_455 : i32 to vector<16xi32>
      %gather3A_457 = tpu.vector_load_idx %arg10[%broadcast_in_dim3A_456] : memref<80xf32, #tpu.memory_space<vmem>>[vector<16xi32>], vector<16xf32>,
      %mul3A_458 = arith.constant 16 : i32
      %mul3A_459 = vector.broadcast %mul3A_458 : i32 to vector<16xi32>
      %mul3A_460 = arith.muli %iota3A, %mul3A_459 : vector<16xi32>
      %add3A_461 = arith.constant 10 : i32
      %add3A_462 = vector.broadcast %add3A_461 : i32 to vector<16xi32>
      %add3A_463 = arith.addi %mul3A_460, %add3A_462 : vector<16xi32>
      %scan3A_464 = arith.constant 0 : i32
      %scan3A_465 = arith.constant 128 : i32
      %scan3A_466 = arith.addi %scan3A_464, %scan3A_465 : i32
      %scan3A_467 = arith.constant 1 : i32
      %scan3A_468 = scf.for %scan3A_665 = %scan3A_464 to %scan3A_466 step %scan3A_467 iter_args(%scan3A_666 = %add3A_463) -> (vector<16xi32>)  : i32 {
        %gather3A_667 = tpu.vector_load_idx %arg6[%scan3A_666] : memref<32768xf32, #tpu.memory_space<vmem>>[vector<16xi32>], vector<16xf32>,
        %ge3A = arith.cmpf oge, %gather3A_667, %gather3A_433 : vector<16xf32>
        %select_n3A = arith.select %ge3A, %gather3A_448, %gather3A_445 : vector<16xi1>, vector<16xf32>
        %ge3A_668 = arith.cmpf oge, %gather3A_667, %gather3A_436 : vector<16xf32>
        %select_n3A_669 = arith.select %ge3A_668, %gather3A_451, %select_n3A : vector<16xi1>, vector<16xf32>
        %ge3A_670 = arith.cmpf oge, %gather3A_667, %gather3A_439 : vector<16xf32>
        %select_n3A_671 = arith.select %ge3A_670, %gather3A_454, %select_n3A_669 : vector<16xi1>, vector<16xf32>
        %ge3A_672 = arith.cmpf oge, %gather3A_667, %gather3A_442 : vector<16xf32>
        %select_n3A_673 = arith.select %ge3A_672, %gather3A_457, %select_n3A_671 : vector<16xi1>, vector<16xf32>
        %mul3A_674 = arith.constant 16 : i32
        %mul3A_675 = arith.muli %scan3A_665, %mul3A_674 : i32
        %get3A_676 = arith.index_cast %mul3A_675 : i32 to index
        %get3A_677 = tpu.vector_load %arg7[%get3A_676] {strides = array<i32>} : memref<2048xf32, #tpu.memory_space<vmem>>, vector<16xf32>,
        %mul3A_678 = arith.mulf %get3A_677, %select_n3A_673 : vector<16xf32>
        %swap3A_679 = arith.index_cast %mul3A_675 : i32 to index
        %swap3A_680 = tpu.vector_load %arg7[%swap3A_679] {strides = array<i32>} : memref<2048xf32, #tpu.memory_space<vmem>>, vector<16xf32>,
        tpu.vector_store %arg7[%swap3A_679], %mul3A_678 {strides = array<i32>} : memref<2048xf32, #tpu.memory_space<vmem>>, vector<16xf32>,
        %add3A_681 = arith.constant 256 : i32
        %add3A_682 = vector.broadcast %add3A_681 : i32 to vector<16xi32>
        %add3A_683 = arith.addi %scan3A_666, %add3A_682 : vector<16xi32>
        scf.yield %add3A_683 : vector<16xi32>
      }
      %scan3A_469 = arith.constant 128 : i32
      %broadcast_in_dim3A_470 = arith.constant 27 : i32
      %broadcast_in_dim3A_471 = vector.broadcast %broadcast_in_dim3A_470 : i32 to vector<16xi32>
      %gather3A_472 = tpu.vector_load_idx %arg8[%broadcast_in_dim3A_471] : memref<96xf32, #tpu.memory_space<vmem>>[vector<16xi32>], vector<16xf32>,
      %broadcast_in_dim3A_473 = arith.constant 43 : i32
      %broadcast_in_dim3A_474 = vector.broadcast %broadcast_in_dim3A_473 : i32 to vector<16xi32>
      %gather3A_475 = tpu.vector_load_idx %arg8[%broadcast_in_dim3A_474] : memref<96xf32, #tpu.memory_space<vmem>>[vector<16xi32>], vector<16xf32>,
      %broadcast_in_dim3A_476 = arith.constant 59 : i32
      %broadcast_in_dim3A_477 = vector.broadcast %broadcast_in_dim3A_476 : i32 to vector<16xi32>
      %gather3A_478 = tpu.vector_load_idx %arg8[%broadcast_in_dim3A_477] : memref<96xf32, #tpu.memory_space<vmem>>[vector<16xi32>], vector<16xf32>,
      %broadcast_in_dim3A_479 = arith.constant 75 : i32
      %broadcast_in_dim3A_480 = vector.broadcast %broadcast_in_dim3A_479 : i32 to vector<16xi32>
      %gather3A_481 = tpu.vector_load_idx %arg8[%broadcast_in_dim3A_480] : memref<96xf32, #tpu.memory_space<vmem>>[vector<16xi32>], vector<16xf32>,
      %broadcast_in_dim3A_482 = arith.constant 11 : i32
      %broadcast_in_dim3A_483 = vector.broadcast %broadcast_in_dim3A_482 : i32 to vector<16xi32>
      %gather3A_484 = tpu.vector_load_idx %arg10[%broadcast_in_dim3A_483] : memref<80xf32, #tpu.memory_space<vmem>>[vector<16xi32>], vector<16xf32>,
      %broadcast_in_dim3A_485 = arith.constant 27 : i32
      %broadcast_in_dim3A_486 = vector.broadcast %broadcast_in_dim3A_485 : i32 to vector<16xi32>
      %gather3A_487 = tpu.vector_load_idx %arg10[%broadcast_in_dim3A_486] : memref<80xf32, #tpu.memory_space<vmem>>[vector<16xi32>], vector<16xf32>,
      %broadcast_in_dim3A_488 = arith.constant 43 : i32
      %broadcast_in_dim3A_489 = vector.broadcast %broadcast_in_dim3A_488 : i32 to vector<16xi32>
      %gather3A_490 = tpu.vector_load_idx %arg10[%broadcast_in_dim3A_489] : memref<80xf32, #tpu.memory_space<vmem>>[vector<16xi32>], vector<16xf32>,
      %broadcast_in_dim3A_491 = arith.constant 59 : i32
      %broadcast_in_dim3A_492 = vector.broadcast %broadcast_in_dim3A_491 : i32 to vector<16xi32>
      %gather3A_493 = tpu.vector_load_idx %arg10[%broadcast_in_dim3A_492] : memref<80xf32, #tpu.memory_space<vmem>>[vector<16xi32>], vector<16xf32>,
      %broadcast_in_dim3A_494 = arith.constant 75 : i32
      %broadcast_in_dim3A_495 = vector.broadcast %broadcast_in_dim3A_494 : i32 to vector<16xi32>
      %gather3A_496 = tpu.vector_load_idx %arg10[%broadcast_in_dim3A_495] : memref<80xf32, #tpu.memory_space<vmem>>[vector<16xi32>], vector<16xf32>,
      %mul3A_497 = arith.constant 16 : i32
      %mul3A_498 = vector.broadcast %mul3A_497 : i32 to vector<16xi32>
      %mul3A_499 = arith.muli %iota3A, %mul3A_498 : vector<16xi32>
      %add3A_500 = arith.constant 11 : i32
      %add3A_501 = vector.broadcast %add3A_500 : i32 to vector<16xi32>
      %add3A_502 = arith.addi %mul3A_499, %add3A_501 : vector<16xi32>
      %scan3A_503 = arith.constant 0 : i32
      %scan3A_504 = arith.constant 128 : i32
      %scan3A_505 = arith.addi %scan3A_503, %scan3A_504 : i32
      %scan3A_506 = arith.constant 1 : i32
      %scan3A_507 = scf.for %scan3A_665 = %scan3A_503 to %scan3A_505 step %scan3A_506 iter_args(%scan3A_666 = %add3A_502) -> (vector<16xi32>)  : i32 {
        %gather3A_667 = tpu.vector_load_idx %arg6[%scan3A_666] : memref<32768xf32, #tpu.memory_space<vmem>>[vector<16xi32>], vector<16xf32>,
        %ge3A = arith.cmpf oge, %gather3A_667, %gather3A_472 : vector<16xf32>
        %select_n3A = arith.select %ge3A, %gather3A_487, %gather3A_484 : vector<16xi1>, vector<16xf32>
        %ge3A_668 = arith.cmpf oge, %gather3A_667, %gather3A_475 : vector<16xf32>
        %select_n3A_669 = arith.select %ge3A_668, %gather3A_490, %select_n3A : vector<16xi1>, vector<16xf32>
        %ge3A_670 = arith.cmpf oge, %gather3A_667, %gather3A_478 : vector<16xf32>
        %select_n3A_671 = arith.select %ge3A_670, %gather3A_493, %select_n3A_669 : vector<16xi1>, vector<16xf32>
        %ge3A_672 = arith.cmpf oge, %gather3A_667, %gather3A_481 : vector<16xf32>
        %select_n3A_673 = arith.select %ge3A_672, %gather3A_496, %select_n3A_671 : vector<16xi1>, vector<16xf32>
        %mul3A_674 = arith.constant 16 : i32
        %mul3A_675 = arith.muli %scan3A_665, %mul3A_674 : i32
        %get3A_676 = arith.index_cast %mul3A_675 : i32 to index
        %get3A_677 = tpu.vector_load %arg7[%get3A_676] {strides = array<i32>} : memref<2048xf32, #tpu.memory_space<vmem>>, vector<16xf32>,
        %mul3A_678 = arith.mulf %get3A_677, %select_n3A_673 : vector<16xf32>
        %swap3A_679 = arith.index_cast %mul3A_675 : i32 to index
        %swap3A_680 = tpu.vector_load %arg7[%swap3A_679] {strides = array<i32>} : memref<2048xf32, #tpu.memory_space<vmem>>, vector<16xf32>,
        tpu.vector_store %arg7[%swap3A_679], %mul3A_678 {strides = array<i32>} : memref<2048xf32, #tpu.memory_space<vmem>>, vector<16xf32>,
        %add3A_681 = arith.constant 256 : i32
        %add3A_682 = vector.broadcast %add3A_681 : i32 to vector<16xi32>
        %add3A_683 = arith.addi %scan3A_666, %add3A_682 : vector<16xi32>
        scf.yield %add3A_683 : vector<16xi32>
      }
      %scan3A_508 = arith.constant 128 : i32
      %broadcast_in_dim3A_509 = arith.constant 28 : i32
      %broadcast_in_dim3A_510 = vector.broadcast %broadcast_in_dim3A_509 : i32 to vector<16xi32>
      %gather3A_511 = tpu.vector_load_idx %arg8[%broadcast_in_dim3A_510] : memref<96xf32, #tpu.memory_space<vmem>>[vector<16xi32>], vector<16xf32>,
      %broadcast_in_dim3A_512 = arith.constant 44 : i32
      %broadcast_in_dim3A_513 = vector.broadcast %broadcast_in_dim3A_512 : i32 to vector<16xi32>
      %gather3A_514 = tpu.vector_load_idx %arg8[%broadcast_in_dim3A_513] : memref<96xf32, #tpu.memory_space<vmem>>[vector<16xi32>], vector<16xf32>,
      %broadcast_in_dim3A_515 = arith.constant 60 : i32
      %broadcast_in_dim3A_516 = vector.broadcast %broadcast_in_dim3A_515 : i32 to vector<16xi32>
      %gather3A_517 = tpu.vector_load_idx %arg8[%broadcast_in_dim3A_516] : memref<96xf32, #tpu.memory_space<vmem>>[vector<16xi32>], vector<16xf32>,
      %broadcast_in_dim3A_518 = arith.constant 76 : i32
      %broadcast_in_dim3A_519 = vector.broadcast %broadcast_in_dim3A_518 : i32 to vector<16xi32>
      %gather3A_520 = tpu.vector_load_idx %arg8[%broadcast_in_dim3A_519] : memref<96xf32, #tpu.memory_space<vmem>>[vector<16xi32>], vector<16xf32>,
      %broadcast_in_dim3A_521 = arith.constant 12 : i32
      %broadcast_in_dim3A_522 = vector.broadcast %broadcast_in_dim3A_521 : i32 to vector<16xi32>
      %gather3A_523 = tpu.vector_load_idx %arg10[%broadcast_in_dim3A_522] : memref<80xf32, #tpu.memory_space<vmem>>[vector<16xi32>], vector<16xf32>,
      %broadcast_in_dim3A_524 = arith.constant 28 : i32
      %broadcast_in_dim3A_525 = vector.broadcast %broadcast_in_dim3A_524 : i32 to vector<16xi32>
      %gather3A_526 = tpu.vector_load_idx %arg10[%broadcast_in_dim3A_525] : memref<80xf32, #tpu.memory_space<vmem>>[vector<16xi32>], vector<16xf32>,
      %broadcast_in_dim3A_527 = arith.constant 44 : i32
      %broadcast_in_dim3A_528 = vector.broadcast %broadcast_in_dim3A_527 : i32 to vector<16xi32>
      %gather3A_529 = tpu.vector_load_idx %arg10[%broadcast_in_dim3A_528] : memref<80xf32, #tpu.memory_space<vmem>>[vector<16xi32>], vector<16xf32>,
      %broadcast_in_dim3A_530 = arith.constant 60 : i32
      %broadcast_in_dim3A_531 = vector.broadcast %broadcast_in_dim3A_530 : i32 to vector<16xi32>
      %gather3A_532 = tpu.vector_load_idx %arg10[%broadcast_in_dim3A_531] : memref<80xf32, #tpu.memory_space<vmem>>[vector<16xi32>], vector<16xf32>,
      %broadcast_in_dim3A_533 = arith.constant 76 : i32
      %broadcast_in_dim3A_534 = vector.broadcast %broadcast_in_dim3A_533 : i32 to vector<16xi32>
      %gather3A_535 = tpu.vector_load_idx %arg10[%broadcast_in_dim3A_534] : memref<80xf32, #tpu.memory_space<vmem>>[vector<16xi32>], vector<16xf32>,
      %mul3A_536 = arith.constant 16 : i32
      %mul3A_537 = vector.broadcast %mul3A_536 : i32 to vector<16xi32>
      %mul3A_538 = arith.muli %iota3A, %mul3A_537 : vector<16xi32>
      %add3A_539 = arith.constant 12 : i32
      %add3A_540 = vector.broadcast %add3A_539 : i32 to vector<16xi32>
      %add3A_541 = arith.addi %mul3A_538, %add3A_540 : vector<16xi32>
      %scan3A_542 = arith.constant 0 : i32
      %scan3A_543 = arith.constant 128 : i32
      %scan3A_544 = arith.addi %scan3A_542, %scan3A_543 : i32
      %scan3A_545 = arith.constant 1 : i32
      %scan3A_546 = scf.for %scan3A_665 = %scan3A_542 to %scan3A_544 step %scan3A_545 iter_args(%scan3A_666 = %add3A_541) -> (vector<16xi32>)  : i32 {
        %gather3A_667 = tpu.vector_load_idx %arg6[%scan3A_666] : memref<32768xf32, #tpu.memory_space<vmem>>[vector<16xi32>], vector<16xf32>,
        %ge3A = arith.cmpf oge, %gather3A_667, %gather3A_511 : vector<16xf32>
        %select_n3A = arith.select %ge3A, %gather3A_526, %gather3A_523 : vector<16xi1>, vector<16xf32>
        %ge3A_668 = arith.cmpf oge, %gather3A_667, %gather3A_514 : vector<16xf32>
        %select_n3A_669 = arith.select %ge3A_668, %gather3A_529, %select_n3A : vector<16xi1>, vector<16xf32>
        %ge3A_670 = arith.cmpf oge, %gather3A_667, %gather3A_517 : vector<16xf32>
        %select_n3A_671 = arith.select %ge3A_670, %gather3A_532, %select_n3A_669 : vector<16xi1>, vector<16xf32>
        %ge3A_672 = arith.cmpf oge, %gather3A_667, %gather3A_520 : vector<16xf32>
        %select_n3A_673 = arith.select %ge3A_672, %gather3A_535, %select_n3A_671 : vector<16xi1>, vector<16xf32>
        %mul3A_674 = arith.constant 16 : i32
        %mul3A_675 = arith.muli %scan3A_665, %mul3A_674 : i32
        %get3A_676 = arith.index_cast %mul3A_675 : i32 to index
        %get3A_677 = tpu.vector_load %arg7[%get3A_676] {strides = array<i32>} : memref<2048xf32, #tpu.memory_space<vmem>>, vector<16xf32>,
        %mul3A_678 = arith.mulf %get3A_677, %select_n3A_673 : vector<16xf32>
        %swap3A_679 = arith.index_cast %mul3A_675 : i32 to index
        %swap3A_680 = tpu.vector_load %arg7[%swap3A_679] {strides = array<i32>} : memref<2048xf32, #tpu.memory_space<vmem>>, vector<16xf32>,
        tpu.vector_store %arg7[%swap3A_679], %mul3A_678 {strides = array<i32>} : memref<2048xf32, #tpu.memory_space<vmem>>, vector<16xf32>,
        %add3A_681 = arith.constant 256 : i32
        %add3A_682 = vector.broadcast %add3A_681 : i32 to vector<16xi32>
        %add3A_683 = arith.addi %scan3A_666, %add3A_682 : vector<16xi32>
        scf.yield %add3A_683 : vector<16xi32>
      }
      %scan3A_547 = arith.constant 128 : i32
      %broadcast_in_dim3A_548 = arith.constant 29 : i32
      %broadcast_in_dim3A_549 = vector.broadcast %broadcast_in_dim3A_548 : i32 to vector<16xi32>
      %gather3A_550 = tpu.vector_load_idx %arg8[%broadcast_in_dim3A_549] : memref<96xf32, #tpu.memory_space<vmem>>[vector<16xi32>], vector<16xf32>,
      %broadcast_in_dim3A_551 = arith.constant 45 : i32
      %broadcast_in_dim3A_552 = vector.broadcast %broadcast_in_dim3A_551 : i32 to vector<16xi32>
      %gather3A_553 = tpu.vector_load_idx %arg8[%broadcast_in_dim3A_552] : memref<96xf32, #tpu.memory_space<vmem>>[vector<16xi32>], vector<16xf32>,
      %broadcast_in_dim3A_554 = arith.constant 61 : i32
      %broadcast_in_dim3A_555 = vector.broadcast %broadcast_in_dim3A_554 : i32 to vector<16xi32>
      %gather3A_556 = tpu.vector_load_idx %arg8[%broadcast_in_dim3A_555] : memref<96xf32, #tpu.memory_space<vmem>>[vector<16xi32>], vector<16xf32>,
      %broadcast_in_dim3A_557 = arith.constant 77 : i32
      %broadcast_in_dim3A_558 = vector.broadcast %broadcast_in_dim3A_557 : i32 to vector<16xi32>
      %gather3A_559 = tpu.vector_load_idx %arg8[%broadcast_in_dim3A_558] : memref<96xf32, #tpu.memory_space<vmem>>[vector<16xi32>], vector<16xf32>,
      %broadcast_in_dim3A_560 = arith.constant 13 : i32
      %broadcast_in_dim3A_561 = vector.broadcast %broadcast_in_dim3A_560 : i32 to vector<16xi32>
      %gather3A_562 = tpu.vector_load_idx %arg10[%broadcast_in_dim3A_561] : memref<80xf32, #tpu.memory_space<vmem>>[vector<16xi32>], vector<16xf32>,
      %broadcast_in_dim3A_563 = arith.constant 29 : i32
      %broadcast_in_dim3A_564 = vector.broadcast %broadcast_in_dim3A_563 : i32 to vector<16xi32>
      %gather3A_565 = tpu.vector_load_idx %arg10[%broadcast_in_dim3A_564] : memref<80xf32, #tpu.memory_space<vmem>>[vector<16xi32>], vector<16xf32>,
      %broadcast_in_dim3A_566 = arith.constant 45 : i32
      %broadcast_in_dim3A_567 = vector.broadcast %broadcast_in_dim3A_566 : i32 to vector<16xi32>
      %gather3A_568 = tpu.vector_load_idx %arg10[%broadcast_in_dim3A_567] : memref<80xf32, #tpu.memory_space<vmem>>[vector<16xi32>], vector<16xf32>,
      %broadcast_in_dim3A_569 = arith.constant 61 : i32
      %broadcast_in_dim3A_570 = vector.broadcast %broadcast_in_dim3A_569 : i32 to vector<16xi32>
      %gather3A_571 = tpu.vector_load_idx %arg10[%broadcast_in_dim3A_570] : memref<80xf32, #tpu.memory_space<vmem>>[vector<16xi32>], vector<16xf32>,
      %broadcast_in_dim3A_572 = arith.constant 77 : i32
      %broadcast_in_dim3A_573 = vector.broadcast %broadcast_in_dim3A_572 : i32 to vector<16xi32>
      %gather3A_574 = tpu.vector_load_idx %arg10[%broadcast_in_dim3A_573] : memref<80xf32, #tpu.memory_space<vmem>>[vector<16xi32>], vector<16xf32>,
      %mul3A_575 = arith.constant 16 : i32
      %mul3A_576 = vector.broadcast %mul3A_575 : i32 to vector<16xi32>
      %mul3A_577 = arith.muli %iota3A, %mul3A_576 : vector<16xi32>
      %add3A_578 = arith.constant 13 : i32
      %add3A_579 = vector.broadcast %add3A_578 : i32 to vector<16xi32>
      %add3A_580 = arith.addi %mul3A_577, %add3A_579 : vector<16xi32>
      %scan3A_581 = arith.constant 0 : i32
      %scan3A_582 = arith.constant 128 : i32
      %scan3A_583 = arith.addi %scan3A_581, %scan3A_582 : i32
      %scan3A_584 = arith.constant 1 : i32
      %scan3A_585 = scf.for %scan3A_665 = %scan3A_581 to %scan3A_583 step %scan3A_584 iter_args(%scan3A_666 = %add3A_580) -> (vector<16xi32>)  : i32 {
        %gather3A_667 = tpu.vector_load_idx %arg6[%scan3A_666] : memref<32768xf32, #tpu.memory_space<vmem>>[vector<16xi32>], vector<16xf32>,
        %ge3A = arith.cmpf oge, %gather3A_667, %gather3A_550 : vector<16xf32>
        %select_n3A = arith.select %ge3A, %gather3A_565, %gather3A_562 : vector<16xi1>, vector<16xf32>
        %ge3A_668 = arith.cmpf oge, %gather3A_667, %gather3A_553 : vector<16xf32>
        %select_n3A_669 = arith.select %ge3A_668, %gather3A_568, %select_n3A : vector<16xi1>, vector<16xf32>
        %ge3A_670 = arith.cmpf oge, %gather3A_667, %gather3A_556 : vector<16xf32>
        %select_n3A_671 = arith.select %ge3A_670, %gather3A_571, %select_n3A_669 : vector<16xi1>, vector<16xf32>
        %ge3A_672 = arith.cmpf oge, %gather3A_667, %gather3A_559 : vector<16xf32>
        %select_n3A_673 = arith.select %ge3A_672, %gather3A_574, %select_n3A_671 : vector<16xi1>, vector<16xf32>
        %mul3A_674 = arith.constant 16 : i32
        %mul3A_675 = arith.muli %scan3A_665, %mul3A_674 : i32
        %get3A_676 = arith.index_cast %mul3A_675 : i32 to index
        %get3A_677 = tpu.vector_load %arg7[%get3A_676] {strides = array<i32>} : memref<2048xf32, #tpu.memory_space<vmem>>, vector<16xf32>,
        %mul3A_678 = arith.mulf %get3A_677, %select_n3A_673 : vector<16xf32>
        %swap3A_679 = arith.index_cast %mul3A_675 : i32 to index
        %swap3A_680 = tpu.vector_load %arg7[%swap3A_679] {strides = array<i32>} : memref<2048xf32, #tpu.memory_space<vmem>>, vector<16xf32>,
        tpu.vector_store %arg7[%swap3A_679], %mul3A_678 {strides = array<i32>} : memref<2048xf32, #tpu.memory_space<vmem>>, vector<16xf32>,
        %add3A_681 = arith.constant 256 : i32
        %add3A_682 = vector.broadcast %add3A_681 : i32 to vector<16xi32>
        %add3A_683 = arith.addi %scan3A_666, %add3A_682 : vector<16xi32>
        scf.yield %add3A_683 : vector<16xi32>
      }
      %scan3A_586 = arith.constant 128 : i32
      %broadcast_in_dim3A_587 = arith.constant 30 : i32
      %broadcast_in_dim3A_588 = vector.broadcast %broadcast_in_dim3A_587 : i32 to vector<16xi32>
      %gather3A_589 = tpu.vector_load_idx %arg8[%broadcast_in_dim3A_588] : memref<96xf32, #tpu.memory_space<vmem>>[vector<16xi32>], vector<16xf32>,
      %broadcast_in_dim3A_590 = arith.constant 46 : i32
      %broadcast_in_dim3A_591 = vector.broadcast %broadcast_in_dim3A_590 : i32 to vector<16xi32>
      %gather3A_592 = tpu.vector_load_idx %arg8[%broadcast_in_dim3A_591] : memref<96xf32, #tpu.memory_space<vmem>>[vector<16xi32>], vector<16xf32>,
      %broadcast_in_dim3A_593 = arith.constant 62 : i32
      %broadcast_in_dim3A_594 = vector.broadcast %broadcast_in_dim3A_593 : i32 to vector<16xi32>
      %gather3A_595 = tpu.vector_load_idx %arg8[%broadcast_in_dim3A_594] : memref<96xf32, #tpu.memory_space<vmem>>[vector<16xi32>], vector<16xf32>,
      %broadcast_in_dim3A_596 = arith.constant 78 : i32
      %broadcast_in_dim3A_597 = vector.broadcast %broadcast_in_dim3A_596 : i32 to vector<16xi32>
      %gather3A_598 = tpu.vector_load_idx %arg8[%broadcast_in_dim3A_597] : memref<96xf32, #tpu.memory_space<vmem>>[vector<16xi32>], vector<16xf32>,
      %broadcast_in_dim3A_599 = arith.constant 14 : i32
      %broadcast_in_dim3A_600 = vector.broadcast %broadcast_in_dim3A_599 : i32 to vector<16xi32>
      %gather3A_601 = tpu.vector_load_idx %arg10[%broadcast_in_dim3A_600] : memref<80xf32, #tpu.memory_space<vmem>>[vector<16xi32>], vector<16xf32>,
      %broadcast_in_dim3A_602 = arith.constant 30 : i32
      %broadcast_in_dim3A_603 = vector.broadcast %broadcast_in_dim3A_602 : i32 to vector<16xi32>
      %gather3A_604 = tpu.vector_load_idx %arg10[%broadcast_in_dim3A_603] : memref<80xf32, #tpu.memory_space<vmem>>[vector<16xi32>], vector<16xf32>,
      %broadcast_in_dim3A_605 = arith.constant 46 : i32
      %broadcast_in_dim3A_606 = vector.broadcast %broadcast_in_dim3A_605 : i32 to vector<16xi32>
      %gather3A_607 = tpu.vector_load_idx %arg10[%broadcast_in_dim3A_606] : memref<80xf32, #tpu.memory_space<vmem>>[vector<16xi32>], vector<16xf32>,
      %broadcast_in_dim3A_608 = arith.constant 62 : i32
      %broadcast_in_dim3A_609 = vector.broadcast %broadcast_in_dim3A_608 : i32 to vector<16xi32>
      %gather3A_610 = tpu.vector_load_idx %arg10[%broadcast_in_dim3A_609] : memref<80xf32, #tpu.memory_space<vmem>>[vector<16xi32>], vector<16xf32>,
      %broadcast_in_dim3A_611 = arith.constant 78 : i32
      %broadcast_in_dim3A_612 = vector.broadcast %broadcast_in_dim3A_611 : i32 to vector<16xi32>
      %gather3A_613 = tpu.vector_load_idx %arg10[%broadcast_in_dim3A_612] : memref<80xf32, #tpu.memory_space<vmem>>[vector<16xi32>], vector<16xf32>,
      %mul3A_614 = arith.constant 16 : i32
      %mul3A_615 = vector.broadcast %mul3A_614 : i32 to vector<16xi32>
      %mul3A_616 = arith.muli %iota3A, %mul3A_615 : vector<16xi32>
      %add3A_617 = arith.constant 14 : i32
      %add3A_618 = vector.broadcast %add3A_617 : i32 to vector<16xi32>
      %add3A_619 = arith.addi %mul3A_616, %add3A_618 : vector<16xi32>
      %scan3A_620 = arith.constant 0 : i32
      %scan3A_621 = arith.constant 128 : i32
      %scan3A_622 = arith.addi %scan3A_620, %scan3A_621 : i32
      %scan3A_623 = arith.constant 1 : i32
      %scan3A_624 = scf.for %scan3A_665 = %scan3A_620 to %scan3A_622 step %scan3A_623 iter_args(%scan3A_666 = %add3A_619) -> (vector<16xi32>)  : i32 {
        %gather3A_667 = tpu.vector_load_idx %arg6[%scan3A_666] : memref<32768xf32, #tpu.memory_space<vmem>>[vector<16xi32>], vector<16xf32>,
        %ge3A = arith.cmpf oge, %gather3A_667, %gather3A_589 : vector<16xf32>
        %select_n3A = arith.select %ge3A, %gather3A_604, %gather3A_601 : vector<16xi1>, vector<16xf32>
        %ge3A_668 = arith.cmpf oge, %gather3A_667, %gather3A_592 : vector<16xf32>
        %select_n3A_669 = arith.select %ge3A_668, %gather3A_607, %select_n3A : vector<16xi1>, vector<16xf32>
        %ge3A_670 = arith.cmpf oge, %gather3A_667, %gather3A_595 : vector<16xf32>
        %select_n3A_671 = arith.select %ge3A_670, %gather3A_610, %select_n3A_669 : vector<16xi1>, vector<16xf32>
        %ge3A_672 = arith.cmpf oge, %gather3A_667, %gather3A_598 : vector<16xf32>
        %select_n3A_673 = arith.select %ge3A_672, %gather3A_613, %select_n3A_671 : vector<16xi1>, vector<16xf32>
        %mul3A_674 = arith.constant 16 : i32
        %mul3A_675 = arith.muli %scan3A_665, %mul3A_674 : i32
        %get3A_676 = arith.index_cast %mul3A_675 : i32 to index
        %get3A_677 = tpu.vector_load %arg7[%get3A_676] {strides = array<i32>} : memref<2048xf32, #tpu.memory_space<vmem>>, vector<16xf32>,
        %mul3A_678 = arith.mulf %get3A_677, %select_n3A_673 : vector<16xf32>
        %swap3A_679 = arith.index_cast %mul3A_675 : i32 to index
        %swap3A_680 = tpu.vector_load %arg7[%swap3A_679] {strides = array<i32>} : memref<2048xf32, #tpu.memory_space<vmem>>, vector<16xf32>,
        tpu.vector_store %arg7[%swap3A_679], %mul3A_678 {strides = array<i32>} : memref<2048xf32, #tpu.memory_space<vmem>>, vector<16xf32>,
        %add3A_681 = arith.constant 256 : i32
        %add3A_682 = vector.broadcast %add3A_681 : i32 to vector<16xi32>
        %add3A_683 = arith.addi %scan3A_666, %add3A_682 : vector<16xi32>
        scf.yield %add3A_683 : vector<16xi32>
      }
      %scan3A_625 = arith.constant 128 : i32
      %broadcast_in_dim3A_626 = arith.constant 31 : i32
      %broadcast_in_dim3A_627 = vector.broadcast %broadcast_in_dim3A_626 : i32 to vector<16xi32>
      %gather3A_628 = tpu.vector_load_idx %arg8[%broadcast_in_dim3A_627] : memref<96xf32, #tpu.memory_space<vmem>>[vector<16xi32>], vector<16xf32>,
      %broadcast_in_dim3A_629 = arith.constant 47 : i32
      %broadcast_in_dim3A_630 = vector.broadcast %broadcast_in_dim3A_629 : i32 to vector<16xi32>
      %gather3A_631 = tpu.vector_load_idx %arg8[%broadcast_in_dim3A_630] : memref<96xf32, #tpu.memory_space<vmem>>[vector<16xi32>], vector<16xf32>,
      %broadcast_in_dim3A_632 = arith.constant 63 : i32
      %broadcast_in_dim3A_633 = vector.broadcast %broadcast_in_dim3A_632 : i32 to vector<16xi32>
      %gather3A_634 = tpu.vector_load_idx %arg8[%broadcast_in_dim3A_633] : memref<96xf32, #tpu.memory_space<vmem>>[vector<16xi32>], vector<16xf32>,
      %broadcast_in_dim3A_635 = arith.constant 79 : i32
      %broadcast_in_dim3A_636 = vector.broadcast %broadcast_in_dim3A_635 : i32 to vector<16xi32>
      %gather3A_637 = tpu.vector_load_idx %arg8[%broadcast_in_dim3A_636] : memref<96xf32, #tpu.memory_space<vmem>>[vector<16xi32>], vector<16xf32>,
      %broadcast_in_dim3A_638 = arith.constant 15 : i32
      %broadcast_in_dim3A_639 = vector.broadcast %broadcast_in_dim3A_638 : i32 to vector<16xi32>
      %gather3A_640 = tpu.vector_load_idx %arg10[%broadcast_in_dim3A_639] : memref<80xf32, #tpu.memory_space<vmem>>[vector<16xi32>], vector<16xf32>,
      %broadcast_in_dim3A_641 = arith.constant 31 : i32
      %broadcast_in_dim3A_642 = vector.broadcast %broadcast_in_dim3A_641 : i32 to vector<16xi32>
      %gather3A_643 = tpu.vector_load_idx %arg10[%broadcast_in_dim3A_642] : memref<80xf32, #tpu.memory_space<vmem>>[vector<16xi32>], vector<16xf32>,
      %broadcast_in_dim3A_644 = arith.constant 47 : i32
      %broadcast_in_dim3A_645 = vector.broadcast %broadcast_in_dim3A_644 : i32 to vector<16xi32>
      %gather3A_646 = tpu.vector_load_idx %arg10[%broadcast_in_dim3A_645] : memref<80xf32, #tpu.memory_space<vmem>>[vector<16xi32>], vector<16xf32>,
      %broadcast_in_dim3A_647 = arith.constant 63 : i32
      %broadcast_in_dim3A_648 = vector.broadcast %broadcast_in_dim3A_647 : i32 to vector<16xi32>
      %gather3A_649 = tpu.vector_load_idx %arg10[%broadcast_in_dim3A_648] : memref<80xf32, #tpu.memory_space<vmem>>[vector<16xi32>], vector<16xf32>,
      %broadcast_in_dim3A_650 = arith.constant 79 : i32
      %broadcast_in_dim3A_651 = vector.broadcast %broadcast_in_dim3A_650 : i32 to vector<16xi32>
      %gather3A_652 = tpu.vector_load_idx %arg10[%broadcast_in_dim3A_651] : memref<80xf32, #tpu.memory_space<vmem>>[vector<16xi32>], vector<16xf32>,
      %mul3A_653 = arith.constant 16 : i32
      %mul3A_654 = vector.broadcast %mul3A_653 : i32 to vector<16xi32>
      %mul3A_655 = arith.muli %iota3A, %mul3A_654 : vector<16xi32>
      %add3A_656 = arith.constant 15 : i32
      %add3A_657 = vector.broadcast %add3A_656 : i32 to vector<16xi32>
      %add3A_658 = arith.addi %mul3A_655, %add3A_657 : vector<16xi32>
      %scan3A_659 = arith.constant 0 : i32
      %scan3A_660 = arith.constant 128 : i32
      %scan3A_661 = arith.addi %scan3A_659, %scan3A_660 : i32
      %scan3A_662 = arith.constant 1 : i32
      %scan3A_663 = scf.for %scan3A_665 = %scan3A_659 to %scan3A_661 step %scan3A_662 iter_args(%scan3A_666 = %add3A_658) -> (vector<16xi32>)  : i32 {
        %gather3A_667 = tpu.vector_load_idx %arg6[%scan3A_666] : memref<32768xf32, #tpu.memory_space<vmem>>[vector<16xi32>], vector<16xf32>,
        %ge3A = arith.cmpf oge, %gather3A_667, %gather3A_628 : vector<16xf32>
        %select_n3A = arith.select %ge3A, %gather3A_643, %gather3A_640 : vector<16xi1>, vector<16xf32>
        %ge3A_668 = arith.cmpf oge, %gather3A_667, %gather3A_631 : vector<16xf32>
        %select_n3A_669 = arith.select %ge3A_668, %gather3A_646, %select_n3A : vector<16xi1>, vector<16xf32>
        %ge3A_670 = arith.cmpf oge, %gather3A_667, %gather3A_634 : vector<16xf32>
        %select_n3A_671 = arith.select %ge3A_670, %gather3A_649, %select_n3A_669 : vector<16xi1>, vector<16xf32>
        %ge3A_672 = arith.cmpf oge, %gather3A_667, %gather3A_637 : vector<16xf32>
        %select_n3A_673 = arith.select %ge3A_672, %gather3A_652, %select_n3A_671 : vector<16xi1>, vector<16xf32>
        %mul3A_674 = arith.constant 16 : i32
        %mul3A_675 = arith.muli %scan3A_665, %mul3A_674 : i32
        %get3A_676 = arith.index_cast %mul3A_675 : i32 to index
        %get3A_677 = tpu.vector_load %arg7[%get3A_676] {strides = array<i32>} : memref<2048xf32, #tpu.memory_space<vmem>>, vector<16xf32>,
        %mul3A_678 = arith.mulf %get3A_677, %select_n3A_673 : vector<16xf32>
        %swap3A_679 = arith.index_cast %mul3A_675 : i32 to index
        %swap3A_680 = tpu.vector_load %arg7[%swap3A_679] {strides = array<i32>} : memref<2048xf32, #tpu.memory_space<vmem>>, vector<16xf32>,
        tpu.vector_store %arg7[%swap3A_679], %mul3A_678 {strides = array<i32>} : memref<2048xf32, #tpu.memory_space<vmem>>, vector<16xf32>,
        %add3A_681 = arith.constant 256 : i32
        %add3A_682 = vector.broadcast %add3A_681 : i32 to vector<16xi32>
        %add3A_683 = arith.addi %scan3A_666, %add3A_682 : vector<16xi32>
        scf.yield %add3A_683 : vector<16xi32>
      }
      %scan3A_664 = arith.constant 128 : i32
      "tpu.region"() ({
        %run_scoped3A = tpu.sem_alloc : memref<!tpu.dma_semaphore, #tpu.memory_space<semaphore_mem>>
        %dma_start3A = tpu.memref_slice %arg5[%add3A_40] : memref<1048576xf32, #tpu.memory_space<hbm>> -> memref<2048xf32, #tpu.memory_space<hbm>>
        %dma_start3A_665 = tpu.memref_slice %arg5[%add3A_40] : memref<1048576xf32, #tpu.memory_space<hbm>> -> memref<2048xf32, #tpu.memory_space<hbm>>
        tpu.enqueue_dma source(%arg7 : memref<2048xf32, #tpu.memory_space<vmem>>) target(%dma_start3A_665 : memref<2048xf32, #tpu.memory_space<hbm>>) target_semaphore(%run_scoped3A : memref<!tpu.dma_semaphore, #tpu.memory_space<semaphore_mem>>)
        %dma_wait3A = tpu.memref_slice %arg5[%add3A_40] : memref<1048576xf32, #tpu.memory_space<hbm>> -> memref<2048xf32, #tpu.memory_space<hbm>>
        %dma_wait3A_666 = tpu.memref_slice %arg5[%add3A_40] : memref<1048576xf32, #tpu.memory_space<hbm>> -> memref<2048xf32, #tpu.memory_space<hbm>>
        tpu.wait_dma2 semaphore(%run_scoped3A : memref<!tpu.dma_semaphore, #tpu.memory_space<semaphore_mem>>) src(%arg7 : memref<2048xf32, #tpu.memory_space<vmem>>) dst(%dma_wait3A_666 : memref<2048xf32, #tpu.memory_space<hbm>>)
        tpu.yield
      }) : () -> ()
    }
    %scan3A_36 = arith.constant 16 : i32
    return
  }
}

</mosaic_0001>

<sc_bundles>
// kernel: kernel.3.cloned.1.call-start
scs
__scs_entry_jumppad:
0x0: {  	(pc) =	sbr.rel $0x88, $3  }
0x1: {  	(tag) =	ssettag $0x0;
	lr =	simm.s32 $0x1  }
0x2: {  	[smem:$0x3F9E] =	sst lr;
	_ =	strace $0xD0000000  }
0x3: {  	_ = 	snop  }
0x4: {  	_ = 	snop  }
0x5: {  	_ = 	snop  }
0x6: {  	_ = 	snop  }
0x7: {  	_ = 	snop  }
__scs_overlays_trampoline_lowered:
0x8: {  	[smem:$0x3FAD] =	sst s0  }
0x9: {  	[smem:$0x3FAE] =	sst s1  }
0xa: {  	[smem:$0x3FAF] =	sst s2  }
0xb: {  	[smem:$0x3FB0] =	sst s3  }
0xc: {  	[smem:$0x3FB1] =	sst s4  }
0xd: {  	[smem:$0x3FB2] =	sst s5  }
0xe: {  	[smem:$0x3FB3] =	sst s6  }
0xf: {  	[smem:$0x3FB4] =	sst s7  }
0x10: {  	[smem:$0x3FB5] =	sst s8  }
0x11: {  	[smem:$0x3FB6] =	sst s9;
	s0 =	simm.s32 @!p0 $0x0  }
0x12: {  	s1 =	sld [smem:$0x3F9C];
	s0 =	simm.s32 @p0 $0x1  }
0x13: {  	[smem:$0x3FB7] =	sst s0;
	s0 =	simm.s32 @!p1 $0x0  }
0x14: {  	s2 =	sld [smem:$0x3F9B];
	s0 =	simm.s32 @p1 $0x1  }
0x15: {  	[smem:$0x3FB8] =	sst s0;
	s0 =	simm.s32 @!p2 $0x0  }
0x16: {  	s3 =	sld [smem:$0x3FDB];
	s0 =	simm.s32 @p2 $0x1  }
0x17: {  	s4 =	simm.s32 $0x1BF5;
	[smem:$0x3FBA] =	sst s0  }
0x18: {  	s0 =	sld [smem:$0x3F9D];
	_ =	swait.ge [sflag:s4], $0x0  }
0x19: {  	s7 =	sld [smem:$0x3F9E]  }
0x1a: {  	s8 =	sadd.s32 $0xFFFFE003, lr  }
0x1b: {  	s9 =	sadd.s32 $0xFFFFFEF7, lr;
	s5 =	simm.s32 $0xFFFFFFFF;
	p2 =	slt.u32 s8, $0xFFFFF086  }
0x1c: {  	p1 =	slt.u32 s9, $0xF7A;
	s5 =	simm.s32 @!p2 $0x0  }
0x1d: {  	s5 =	simm.s32 @p1 $0x1;
	p0 =	seq.s32 s7, s2  }
0x1e: {  	s7 =	smul.u32 @!p0 $0xF7A, s2;
	p2 =	seq.s32 @!p0 s5, $0x0  }
0x1f: {  	s9 =	smul.u32 $0xF7A, s1;
	s8 =	simm.s32 @!p0 $0x1BF5;
	p2 =	por !p2, p0  }
0x20: {  	[sflag:s8] =	ssyncset.s32 @!p0 $0xFFFFF086;
	s6 =	sadd.s32 @!p0 s3, s7;
	s7 =	simm.s32 @!p0 $0x108  }
0x21: {  	s3 =	sadd.s32 s3, s9;
	s6 =	sadd.s32 @!p0 $0x88, s6;
	s7 =	simm.s32 @p2 $0x1082  }
0x22: {  	[simem:s7], [sflag:s8] =	dma.local @!p0 [hbm:s6], $0xF7A  }
0x23: {  	s9 =	sor.u32 $0xD0000000, s2;
	s6 =	simm.s32 $0x108;
	_ =	swait.ge @!p0 [sflag:s8], $0x0  }
0x24: {  	s3 =	sadd.s32 $0x88, s3;
	s6 =	simm.s32 @!p1 $0x1082;
	[sflag:s4] =	ssyncset.s32 $0xFFFFF086  }
0x25: {  	[simem:s6], [sflag:s4] =	dma.local [hbm:s3], $0xF7A  }
0x26: {  	[smem:$0x3F9E] =	sst s1;
	(tag) =	ssettag s2;
	_ =	strace s9  }
0x27: {  	s1 =	sld [smem:$0x3FAE]  }
0x28: {  	s2 =	sld [smem:$0x3FAF]  }
0x29: {  	s4 =	sld [smem:$0x3FB1]  }
0x2a: {  	p0 =	seq.s32 s5, $0x0;
	s5 =	sld [smem:$0x3FB2]  }
0x2b: {  	s6 =	sld [smem:$0x3FB3]  }
0x2c: {  	s7 =	sld [smem:$0x3FB4]  }
0x2d: {  	s3 =	simm.s32 $0x108;
	s8 =	sld [smem:$0x3FB5]  }
0x2e: {  	s3 =	simm.s32 @!p0 $0x1082;
	s9 =	sld [smem:$0x3FB6]  }
0x2f: {  	lr =	sadd.s32 s0, s3;
	s0 =	sld [smem:$0x3FAD]  }
0x30: {  	s3 =	sld [smem:$0x3FB0]  }
0x31: {  	[smem:$0x3FB9] =	sst s10  }
0x32: {  	s10 =	sld [smem:$0x3FB7];
	_ =	sdelay $0x3  }
0x33: {  	p0 =	seq.s32 s10, $0x1;
	s10 =	sld [smem:$0x3FB9];
	_ =	sdelay $0x3  }
0x34: {  	[smem:$0x3FB9] =	sst s10  }
0x35: {  	s10 =	sld [smem:$0x3FB8];
	_ =	sdelay $0x3  }
0x36: {  	p1 =	seq.s32 s10, $0x1;
	s10 =	sld [smem:$0x3FB9];
	_ =	sdelay $0x3  }
0x37: {  	[smem:$0x3FB9] =	sst s10  }
0x38: {  	s10 =	sld [smem:$0x3FBA]  }
0x39: {  	_ = 	snop;
	(pc) =	sbr.ind lr, $3  }
0x3a: {  	_ = 	snop  }
0x3b: {  	_ = 	snop  }
0x3c: {  	p2 =	seq.s32 s10, $0x1;
	s10 =	sld [smem:$0x3FB9]  }
0x3d: {  	_ =	shalt  }
0x3e: {  	_ =	shalt  }
0x3f: {  	_ =	shalt  }
0x40: {  	_ =	shalt  }
0x41: {  	_ =	shalt  }
0x42: {  	_ =	shalt  }
0x43: {  	_ =	shalt  }
0x44: {  	_ =	shalt  }
0x45: {  	_ =	shalt  }
0x46: {  	_ =	shalt  }
0x47: {  	_ =	shalt  }
0x48: {  	_ =	shalt  }
0x49: {  	_ =	shalt  }
0x4a: {  	_ =	shalt  }
0x4b: {  	_ =	shalt  }
0x4c: {  	_ =	shalt  }
0x4d: {  	_ =	shalt  }
0x4e: {  	_ =	shalt  }
0x4f: {  	_ =	shalt  }
0x50: {  	_ =	shalt  }
0x51: {  	_ =	shalt  }
0x52: {  	_ =	shalt  }
0x53: {  	_ =	shalt  }
0x54: {  	_ =	shalt  }
0x55: {  	_ =	shalt  }
0x56: {  	_ =	shalt  }
0x57: {  	_ =	shalt  }
0x58: {  	_ =	shalt  }
0x59: {  	_ =	shalt  }
0x5a: {  	_ =	shalt  }
0x5b: {  	_ =	shalt  }
0x5c: {  	_ =	shalt  }
0x5d: {  	_ =	shalt  }
0x5e: {  	_ =	shalt  }
0x5f: {  	_ =	shalt  }
0x60: {  	_ =	shalt  }
0x61: {  	_ =	shalt  }
0x62: {  	_ =	shalt  }
0x63: {  	_ =	shalt  }
0x64: {  	_ =	shalt  }
0x65: {  	_ =	shalt  }
0x66: {  	_ =	shalt  }
0x67: {  	_ =	shalt  }
0x68: {  	_ =	shalt  }
0x69: {  	_ =	shalt  }
0x6a: {  	_ =	shalt  }
0x6b: {  	_ =	shalt  }
0x6c: {  	_ =	shalt  }
0x6d: {  	_ =	shalt  }
0x6e: {  	_ =	shalt  }
0x6f: {  	_ =	shalt  }
0x70: {  	_ =	shalt  }
0x71: {  	_ =	shalt  }
0x72: {  	_ =	shalt  }
0x73: {  	_ =	shalt  }
0x74: {  	_ =	shalt  }
0x75: {  	_ =	shalt  }
0x76: {  	_ =	shalt  }
0x77: {  	_ =	shalt  }
0x78: {  	_ =	shalt  }
0x79: {  	_ =	shalt  }
0x7a: {  	_ =	shalt  }
0x7b: {  	_ =	shalt  }
0x7c: {  	_ =	shalt  }
0x7d: {  	_ =	shalt  }
0x7e: {  	_ =	shalt  }
0x7f: {  	_ =	shalt  }
0x80: {  	_ =	shalt  }
0x81: {  	_ =	shalt  }
0x82: {  	_ =	shalt  }
0x83: {  	_ =	shalt  }
0x84: {  	_ =	shalt  }
0x85: {  	_ =	shalt  }
0x86: {  	_ =	shalt  }
0x87: {  	_ =	shalt  }
.Lfunc_end0:
.L_simem_size_0:
called_computation_lowered:
.L_overlay_start_0:
0x88: {  	s2 =	sld [smem:$0x3FD9]  }
0x89: {  	s3 =	sld [smem:$0x3FFE];
	_ =	sdelay $0x1  }
0x8a: {  	s1 =	srdreg.scid  }
0x8b: {  	s0 =	sand.u32 $0x1, s1  }
0x8c: {  	s17 =	sshll.u32 s0, $0xA;
	s2 =	sadd.s32 s3, s2  }
0x8d: {  	s2 =	sadd.s32 s2, s17  }
0x8e: {  	[smem:$0x3FC5] =	sst s2  }
0x8f: {  	_ = 	snop  }
0x90: {  	s2 =	sld [smem:$0x3FD0];
	(tm) =	ssettm $0x1  }
0x91: {  	s18 =	sld [smem:$0x3FFB];
	_ =	sdelay $0x3  }
0x92: {  	_ =	strace s18  }
0x93: {  	s3 =	sld [smem:$0x3FFC];
	_ =	sdelay $0x3  }
0x94: {  	_ =	strace s3  }
0x95: {  	s3 =	sld [smem:$0x3FFD];
	_ =	sdelay $0x3  }
0x96: {  	_ =	strace s3  }
0x97: {  	_ =	strace $0x8FFFFFFF  }
0x98: {  	s19 =	sld [smem:$0x3FDB];
	_ =	sdelay $0x1  }
0x99: {  	s4 =	simm.s32 $_scs_section_size  }
0x9a: {  	s5 =	simm.s32 $_size__tile_overlayer_lowered;
	s6 =	simm.s32 $_tile_overlayer_lowered  }
0x9b: {  	s22 =	simm.s32 $0x1BFF;
	s21 =	sshll.u32 s6, $0x1;
	s3 =	sadd.s32 s4, s19  }
0x9c: {  	s7 =	simm.s32 $0x0;
	s20 =	sshll.u32 s5, $0x1;
	s5 =	sadd.s32 s21, s3  }
0x9d: {  	[timem:s7], [sflag:s22] =	dma.local [hbm:s5], s20  }
0x9e: {  	_ =	swait.ge [sflag:s22], s20  }
0x9f: {  	s4 =	ssub.s32 $0x0, s20;
	[sflag:s22] =	ssyncset.done $0x0  }
0xa0: {  	[sflag:s22] =	ssyncadd.s32 s4;
	_ =	sdelay $0x1  }
0xa1: {  	s23 =	simm.s32 $0x1B8B  }
0xa2: {  	_ =	swait.ge [sflag:s23], $0x1  }
0xa3: {  	[sflag:s23] =	ssyncset.done $0x0  }
0xa4: {  	s25 =	simm.s32 $0x1B8E;
	s24 =	sld [smem:$0x3FFE];
	[sflag:s23] =	ssyncadd.s32 $0xFFFFFFFF  }
0xa5: {  	s26 =	simm.s32 $execute0_lowered;
	[smem:$0x3FD2] =	sst s25  }
0xa6: {  	s5 =	sshll.u32 s26, $0x1;
	_ =	strace $0x80000046;
	[dreg:$0x1] =	wrdreg $0xFFFFFFFF  }
0xa7: {  	s28 =	simm.s32 $_size_execute0_lowered;
	s3 =	sadd.s32 s3, s5;
	[dreg:$0x0] =	wrdreg $0x0  }
0xa8: {  	s5 =	sshll.u32 s28, $0x1;
	[dreg:$0x2] =	wrdreg s3  }
0xa9: {  	[dreg:$0x3] =	wrdreg s5  }
0xaa: {  	[dreg:$0x4] =	wrdreg $0xC0  }
0xab: {  	_ =	task [dreg:s7], $0x5FFFF  }
0xac: {  	[dreg:$0x1] =	wrdreg $0xFFFFFFFF  }
0xad: {  	[dreg:$0x0] =	wrdreg $0x60  }
0xae: {  	[dreg:$0x2] =	wrdreg s24  }
0xaf: {  	[dreg:$0x3] =	wrdreg s2  }
0xb0: {  	[dreg:$0x4] =	wrdreg $0x9  }
0xb1: {  	_ =	task.clear_ibuf [dreg:s7], $0x5FFFF;
	_ =	strace $0x90000046  }
0xb2: {  	s29 =	simm.s32 $0x9;
	_ =	strace $0x80000048  }
0xb3: {  	_ =	swait.ge [sflag:s29], $0x1  }
0xb4: {  	[sflag:s29] =	ssyncadd.s32 $0xFFFFFFFF  }
0xb5: {  	_ =	strace $0x90000048  }
0xb6: {  	_ =	sfence  }
0xb7: {  	s30 =	sld [smem:$0x0];
	_ =	sdelay $0x2  }
0xb8: {  	s31 =	sshll.u32 s1, $0xD;
	s1 =	sshrl.u32 s1, $0x2  }
0xb9: {  	s3 =	sand.u32 $0x4000, s31;
	s1 =	sadd.s32 s1, s30  }
0xba: {  	s0 =	sor.u32 s3, s0;
	s1 =	sshll.u32 s1, $0x11  }
0xbb: {  	s0 =	sor.u32 s1, s0  }
0xbc: {  	s0 =	sadd.s32 $0x8F2B, s0  }
0xbd: {  	[sflag:s0] =	ssyncadd.remote.s32 $0x1  }
0xbe: {  	_ =	sfence.sel $0xFFFF  }
0xbf: {  	[dreg:$0x0] =	wrdreg $0xFFFFFFFF;
	(pc) =	sbr.abs _section_cstart, $3  }
0xc0: {  	[dreg:$0x1] =	wrdreg $0xFFFFFFFF  }
0xc1: {  	_ =	task.clear_ibuf [dreg:s7], $0x2FFFF;
	_ =	strace $0x9FFFFFFF  }
0xc2: {  	(tm) =	ssettm $0x7FFFFFFF  }
0xc3: {  	_ =	shalt  }
tec
execute0_lowered:
.L_overlay_start_1:
0x0: {  	(tag) =	ssettag $0x1  }
0x1: {  	v0 =	vlaneseq.u32;
	v30 =	vimm.s32 $0x15;
	v31 =	vimm.s32 $0x25  }
0x2: {  	v32 =	vimm.s32 $0x35;
	v33 =	vimm.s32 $0x45;
	v36 =	vimm.s32 $0x16  }
0x3: {  	v37 =	vimm.s32 $0x26;
	v38 =	vimm.s32 $0x36;
	v39 =	vimm.s32 $0x46  }
0x4: {  	v41 =	vimm.s32 $0x17;
	v42 =	vimm.s32 $0x27;
	v43 =	vimm.s32 $0x37  }
0x5: {  	v44 =	vimm.s32 $0x47;
	v46 =	vimm.s32 $0x18;
	v47 =	vimm.s32 $0x28  }
0x6: {  	v48 =	vimm.s32 $0x38;
	v49 =	vimm.s32 $0x48;
	v51 =	vimm.s32 $0x19  }
0x7: {  	v52 =	vimm.s32 $0x29;
	v53 =	vimm.s32 $0x39;
	v54 =	vimm.s32 $0x49  }
0x8: {  	s6 =	rddreg [dreg:$0x0];
	v56 =	vimm.s32 $0x1A;
	v57 =	vimm.s32 $0x2A;
	v58 =	vimm.s32 $0x3A  }
0x9: {  	s1 =	rddreg [dreg:$0x1];
	v59 =	vimm.s32 $0x4A;
	v61 =	vimm.s32 $0x1B;
	v62 =	vimm.s32 $0x2B  }
0xa: {  	s0 =	rddreg [dreg:$0x2];
	s2 =	simm.s32 $0x0;
	v63 =	vimm.s32 $0x3B;
	v4 =	vimm.s32 $0x4B;
	v16 =	vimm.s32 $0x1C  }
0xb: {  	s3 =	srdreg.scid;
	v22 =	vimm.s32 $0x2C;
	v28 =	vimm.s32 $0x3C;
	v34 =	vimm.s32 $0x4C;
	s4 =	stileid.u32;
	s10 =	simm.s32 $0x1  }
0xc: {  	v45 =	vimm.s32 $0x1D;
	v50 =	vimm.s32 $0x2D;
	v55 =	vimm.s32 $0x3D;
	s11 =	simm.s32 $0x8880;
	s12 =	simm.s32 $0x8900;
	s13 =	simm.s32 $0x8000  }
0xd: {  	v60 =	vimm.s32 $0x4D;
	v40 =	vimm.s32 $0x1E;
	v10 =	vimm.s32 $0x2E;
	s14 =	simm.s32 $0x0;
	[smem:$0x7FF] =	sst s2;
	s7 =	sand.u32 $0x1, s3  }
0xe: {  	v1 =	vimm.s32 $0x4E;
	v2 =	vimm.s32 $0x1F;
	v5 =	vmul.u32 $0x10, v0;
	s3 =	sadd.s32 $0x1000800, s6;
	s5 =	sadd.s32 $0x800, s6;
	s8 =	ssub.s32 $0x2, s7  }
0xf: {  	v3 =	vimm.s32 $0x2F;
	v6 =	vimm.s32 $0x3F;
	v7 =	vimm.s32 $0x4F;
	s31 =	sshll.u32 s4, $0x10;
	s6 =	sadd.s32 $0xA00, s6;
	s9 =	sshrl.u32 s8, $0x1  }
0x10: {  	v0 =	vimm.s32 $0x3E;
	_ =	strace $0x80000047;
	s7 =	sshll.u32 s7, $0xF;
	v11 =	vor.u32 $0x1, v5;
	v17 =	vor.u32 $0x2, v5;
	s8 =	ssub.s32 s8, s9  }
0x11: {  	v23 =	vor.u32 $0x3, v5;
	v29 =	vor.u32 $0x4, v5;
	v35 =	vor.u32 $0x5, v5;
	s7 =	sor.u32 s7, s31;
	s9 =	simm.s32 $0x8800;
	s8 =	smax.u32 s8, $0x1  }
.LBB2_1:
0x12: {  	[tilespmem:s9], [sflag:$0x1] =	stream.linear.gather [hbm4b:s6+s2], $0x80, $0x38;
	[tilespmem:$0x8980] =	vst v63  }
0x13: {  	_ =	swait.ge [sflag:s10], $0x80  }
0x14: {  	[sflag:s10] =	ssyncset.done $0x0  }
0x15: {  	[sflag:s10] =	ssyncadd.s32 $0xFFFFFF80  }
0x16: {  	[tilespmem:s11], [sflag:$0x1] =	stream.linear.gather [hbm4b:s5+s2], $0x80, $0x38;
	[tilespmem:$0x8980] =	vst v63  }
0x17: {  	_ =	swait.ge [sflag:s10], $0x80  }
0x18: {  	[sflag:s10] =	ssyncset.done $0x0  }
0x19: {  	[sflag:s10] =	ssyncadd.s32 $0xFFFFFF80  }
0x1a: {  	v8 =	vld [tilespmem:$0x8880]  }
0x1b: {  	v9 =	vld [tilespmem:$0x8890];
	_ =	sdelay $0x1  }
0x1c: {  	v12 =	vld [tilespmem:$0x88A0];
	_ =	sdelay $0x1  }
0x1d: {  	v13 =	vld [tilespmem:$0x88B0]  }
0x1e: {  	v14 =	vadd.f32 v9, v8  }
0x1f: {  	v15 =	vld [tilespmem:$0x88C0]  }
0x20: {  	v14 =	vadd.f32 v12, v14;
	_ =	sdelay $0x1  }
0x21: {  	v14 =	vadd.f32 v13, v14;
	_ =	sdelay $0x1  }
0x22: {  	v14 =	vadd.f32 v15, v14;
	_ =	sdelay $0x1  }
0x23: {  	(erf) = vrcp.f32 v14;
	_ =	sdelay $0x8  }
0x24: {  	v14 =	vpop (erf)  }
0x25: {  	v8 =	vmul.f32 v14, v8  }
0x26: {  	v9 =	vmul.f32 v14, v9  }
0x27: {  	[tilespmem:$0x8900] =	vst v8;
	v8 =	vmul.f32 v14, v12  }
0x28: {  	[tilespmem:$0x8910] =	vst v9;
	v9 =	vmul.f32 v14, v13  }
0x29: {  	[tilespmem:$0x8920] =	vst v8;
	v8 =	vmul.f32 v14, v15  }
0x2a: {  	[tilespmem:$0x8930] =	vst v9  }
0x2b: {  	s15 =	simm.s32 $0x0;
	[tilespmem:$0x8940] =	vst v8  }
.LBB2_2:
0x2c: {  	s16 =	sshll.u32 s15, $0xB  }
0x2d: {  	s16 =	sadd.s32 s7, s16  }
0x2e: {  	s17 =	sshll.u32 s16, $0x1  }
0x2f: {  	v14 =	vimm.s32 $0x10;
	s18 =	sadd.s32 s3, s17;
	s17 =	simm.s32 $0x0  }
0x30: {  	v15 =	vimm.s32 $0x20;
	[tilespmem:s17], [sflag:$0x1] =	stream.linear.gather [hbm4b:s18+s17], $0x8000, $0x38;
	[tilespmem:$0x8980] =	vst v63  }
0x31: {  	v21 =	vimm.s32 $0x30;
	_ =	swait.ge [sflag:s10], $0x8000  }
0x32: {  	v24 =	vimm.s32 $0x40;
	[sflag:s10] =	ssyncset.done $0x0  }
0x33: {  	[sflag:s10] =	ssyncadd.s32 $0xFFFF8000  }
0x34: {  	v13 =	vld.idx.msk [tilespmem:v14+s9+$0x0], $0xffff  }
0x35: {  	v12 =	vld.idx.msk [tilespmem:v15+s9+$0x0], $0xffff  }
0x36: {  	v9 =	vld.idx.msk [tilespmem:v21+s9+$0x0], $0xffff  }
0x37: {  	v8 =	vld.idx.msk [tilespmem:v24+s9+$0x0], $0xffff  }
0x38: {  	v18 =	vld.msk [tilespmem:s12+$0x0], $0xffff  }
0x39: {  	v20 =	vld.idx.msk [tilespmem:v14+s12+$0x0], $0xffff  }
0x3a: {  	v19 =	vld.idx.msk [tilespmem:v15+s12+$0x0], $0xffff  }
0x3b: {  	v15 =	vld.idx.msk [tilespmem:v21+s12+$0x0], $0xffff  }
0x3c: {  	v14 =	vld.idx.msk [tilespmem:v24+s12+$0x0], $0xffff  }
0x3d: {  	s18 =	simm.s32 $0x40;
	v21 =	vld.idx.msk [tilespmem:v5+s2+$0x0], $0xffff;
	v24 =	vmov v5  }
.LBB2_3:
0x3e: {  	p0 =	sne.s32 s18, $0x1FC0;
	_ =	sdelay $0x4  }
0x3f: {  	vm0 =	vge.f32 v21, v13  }
0x40: {  	v24 =	vadd.s32 $0x100, v24;
	v25 =	vsel vm0, v20, v18;
	vm0 =	vge.f32 v21, v12  }
.Ltmp0:
0x41: {  	v25 =	vsel vm0, v19, v25;
	vm0 =	vge.f32 v21, v9;
	(pc) =	sbr.rel @p0 .LBB2_3-.Ltmp0, $4  }
0x42: {  	v25 =	vsel vm0, v15, v25;
	vm0 =	vge.f32 v21, v8  }
0x43: {  	s19 =	sshra.s32 s17, $0x2;
	s17 =	smov.u32 s18;
	v21 =	vsel vm0, v14, v25  }
0x44: {  	[tilespmem:s19+$0x8000] =	vst v21  }
0x45: {  	s18 =	sadd.s32 $0x40, s18;
	v21 =	vld.idx.msk [tilespmem:v24+s2+$0x0], $0xffff  }
0x46: {  	_ =	sdelay $0x3  }
0x47: {  	vm0 =	vge.f32 v21, v13;
	vm13 =	vge.f32 v21, v12;
	vm14 =	vge.f32 v21, v9  }
0x48: {  	vm15 =	vge.f32 v21, v8;
	v21 =	vimm.s32 $0x31;
	v13 =	vsel vm0, v20, v18  }
0x49: {  	v24 =	vimm.s32 $0x41;
	v12 =	vsel vm13, v19, v13  }
0x4a: {  	v18 =	vimm.s32 $0x1;
	v9 =	vsel vm14, v15, v12  }
0x4b: {  	s17 =	sshra.s32 s17, $0x2;
	v15 =	vimm.s32 $0x21;
	v8 =	vsel vm15, v14, v9  }
0x4c: {  	[tilespmem:s17+$0x8000] =	vst v8  }
0x4d: {  	v9 =	vld.idx.msk [tilespmem:v21+s9+$0x0], $0xffff  }
0x4e: {  	v8 =	vld.idx.msk [tilespmem:v24+s9+$0x0], $0xffff  }
0x4f: {  	v14 =	vimm.s32 $0x11;
	v18 =	vld.idx.msk [tilespmem:v18+s12+$0x0], $0xffff  }
0x50: {  	v12 =	vld.idx.msk [tilespmem:v15+s9+$0x0], $0xffff  }
0x51: {  	v19 =	vld.idx.msk [tilespmem:v15+s12+$0x0], $0xffff  }
0x52: {  	v15 =	vld.idx.msk [tilespmem:v21+s12+$0x0], $0xffff  }
0x53: {  	v21 =	vld.idx.msk [tilespmem:v11+s2+$0x0], $0xffff  }
0x54: {  	v13 =	vld.idx.msk [tilespmem:v14+s9+$0x0], $0xffff  }
0x55: {  	v20 =	vld.idx.msk [tilespmem:v14+s12+$0x0], $0xffff  }
0x56: {  	s18 =	simm.s32 $0x40;
	s17 =	simm.s32 $0x0;
	v14 =	vld.idx.msk [tilespmem:v24+s12+$0x0], $0xffff;
	v24 =	vmov v11  }
.LBB2_5:
0x57: {  	p0 =	sne.s32 s18, $0x1FC0;
	_ =	sdelay $0x3  }
0x58: {  	s19 =	sshra.s32 s17, $0x2;
	s17 =	smov.u32 s18  }
0x59: {  	vm0 =	vge.f32 v21, v13;
	v25 =	vld [tilespmem:s19+$0x8000]  }
0x5a: {  	v26 =	vsel vm0, v20, v18;
	vm0 =	vge.f32 v21, v12  }
0x5b: {  	v26 =	vsel vm0, v19, v26;
	vm0 =	vge.f32 v21, v9  }
0x5c: {  	v24 =	vadd.s32 $0x100, v24;
	v26 =	vsel vm0, v15, v26;
	vm0 =	vge.f32 v21, v8  }
.Ltmp1:
0x5d: {  	v21 =	vsel vm0, v14, v26;
	(pc) =	sbr.rel @p0 .LBB2_5-.Ltmp1, $3  }
0x5e: {  	v21 =	vmul.f32 v21, v25;
	_ =	sdelay $0x1  }
0x5f: {  	[tilespmem:s19+$0x8000] =	vst v21  }
0x60: {  	s18 =	sadd.s32 $0x40, s18;
	v21 =	vld.idx.msk [tilespmem:v24+s2+$0x0], $0xffff  }
0x61: {  	_ =	sdelay $0x2  }
0x62: {  	s17 =	sshra.s32 s17, $0x2  }
0x63: {  	vm0 =	vge.f32 v21, v13;
	v13 =	vld [tilespmem:s17+$0x8000]  }
0x64: {  	vm13 =	vge.f32 v21, v12;
	v18 =	vsel vm0, v20, v18  }
0x65: {  	vm14 =	vge.f32 v21, v9;
	v12 =	vsel vm13, v19, v18  }
0x66: {  	vm15 =	vge.f32 v21, v8;
	v9 =	vsel vm14, v15, v12;
	v15 =	vimm.s32 $0x22  }
0x67: {  	v21 =	vimm.s32 $0x32;
	v8 =	vsel vm15, v14, v9  }
0x68: {  	v24 =	vimm.s32 $0x42;
	v8 =	vmul.f32 v8, v13  }
0x69: {  	v18 =	vimm.s32 $0x2  }
0x6a: {  	[tilespmem:s17+$0x8000] =	vst v8  }
0x6b: {  	v12 =	vld.idx.msk [tilespmem:v15+s9+$0x0], $0xffff  }
0x6c: {  	v9 =	vld.idx.msk [tilespmem:v21+s9+$0x0], $0xffff  }
0x6d: {  	v14 =	vimm.s32 $0x12;
	v8 =	vld.idx.msk [tilespmem:v24+s9+$0x0], $0xffff  }
0x6e: {  	v18 =	vld.idx.msk [tilespmem:v18+s12+$0x0], $0xffff  }
0x6f: {  	v19 =	vld.idx.msk [tilespmem:v15+s12+$0x0], $0xffff  }
0x70: {  	v15 =	vld.idx.msk [tilespmem:v21+s12+$0x0], $0xffff  }
0x71: {  	v21 =	vld.idx.msk [tilespmem:v17+s2+$0x0], $0xffff  }
0x72: {  	v13 =	vld.idx.msk [tilespmem:v14+s9+$0x0], $0xffff  }
0x73: {  	v20 =	vld.idx.msk [tilespmem:v14+s12+$0x0], $0xffff  }
0x74: {  	s18 =	simm.s32 $0x40;
	s17 =	simm.s32 $0x0;
	v14 =	vld.idx.msk [tilespmem:v24+s12+$0x0], $0xffff;
	v24 =	vmov v17  }
.LBB2_7:
0x75: {  	p0 =	sne.s32 s18, $0x1FC0;
	_ =	sdelay $0x3  }
0x76: {  	s19 =	sshra.s32 s17, $0x2;
	s17 =	smov.u32 s18  }
0x77: {  	vm0 =	vge.f32 v21, v13;
	v25 =	vld [tilespmem:s19+$0x8000]  }
0x78: {  	v26 =	vsel vm0, v20, v18;
	vm0 =	vge.f32 v21, v12  }
0x79: {  	v26 =	vsel vm0, v19, v26;
	vm0 =	vge.f32 v21, v9  }
0x7a: {  	v24 =	vadd.s32 $0x100, v24;
	v26 =	vsel vm0, v15, v26;
	vm0 =	vge.f32 v21, v8  }
.Ltmp2:
0x7b: {  	v21 =	vsel vm0, v14, v26;
	(pc) =	sbr.rel @p0 .LBB2_7-.Ltmp2, $3  }
0x7c: {  	v21 =	vmul.f32 v21, v25;
	_ =	sdelay $0x1  }
0x7d: {  	[tilespmem:s19+$0x8000] =	vst v21  }
0x7e: {  	s18 =	sadd.s32 $0x40, s18;
	v21 =	vld.idx.msk [tilespmem:v24+s2+$0x0], $0xffff  }
0x7f: {  	_ =	sdelay $0x2  }
0x80: {  	s17 =	sshra.s32 s17, $0x2  }
0x81: {  	vm0 =	vge.f32 v21, v13;
	v13 =	vld [tilespmem:s17+$0x8000]  }
0x82: {  	vm13 =	vge.f32 v21, v12;
	v18 =	vsel vm0, v20, v18  }
0x83: {  	vm14 =	vge.f32 v21, v9;
	v12 =	vsel vm13, v19, v18  }
0x84: {  	vm15 =	vge.f32 v21, v8;
	v9 =	vsel vm14, v15, v12;
	v15 =	vimm.s32 $0x23  }
0x85: {  	v21 =	vimm.s32 $0x33;
	v8 =	vsel vm15, v14, v9  }
0x86: {  	v24 =	vimm.s32 $0x43;
	v8 =	vmul.f32 v8, v13  }
0x87: {  	v18 =	vimm.s32 $0x3  }
0x88: {  	[tilespmem:s17+$0x8000] =	vst v8  }
0x89: {  	v12 =	vld.idx.msk [tilespmem:v15+s9+$0x0], $0xffff  }
0x8a: {  	v9 =	vld.idx.msk [tilespmem:v21+s9+$0x0], $0xffff  }
0x8b: {  	v14 =	vimm.s32 $0x13;
	v8 =	vld.idx.msk [tilespmem:v24+s9+$0x0], $0xffff  }
0x8c: {  	v18 =	vld.idx.msk [tilespmem:v18+s12+$0x0], $0xffff  }
0x8d: {  	v19 =	vld.idx.msk [tilespmem:v15+s12+$0x0], $0xffff  }
0x8e: {  	v15 =	vld.idx.msk [tilespmem:v21+s12+$0x0], $0xffff  }
0x8f: {  	v21 =	vld.idx.msk [tilespmem:v23+s2+$0x0], $0xffff  }
0x90: {  	v13 =	vld.idx.msk [tilespmem:v14+s9+$0x0], $0xffff  }
0x91: {  	v20 =	vld.idx.msk [tilespmem:v14+s12+$0x0], $0xffff  }
0x92: {  	s18 =	simm.s32 $0x40;
	s17 =	simm.s32 $0x0;
	v14 =	vld.idx.msk [tilespmem:v24+s12+$0x0], $0xffff;
	v24 =	vmov v23  }
.LBB2_9:
0x93: {  	p0 =	sne.s32 s18, $0x1FC0;
	_ =	sdelay $0x3  }
0x94: {  	s19 =	sshra.s32 s17, $0x2;
	s17 =	smov.u32 s18  }
0x95: {  	vm0 =	vge.f32 v21, v13;
	v25 =	vld [tilespmem:s19+$0x8000]  }
0x96: {  	v26 =	vsel vm0, v20, v18;
	vm0 =	vge.f32 v21, v12  }
0x97: {  	v26 =	vsel vm0, v19, v26;
	vm0 =	vge.f32 v21, v9  }
0x98: {  	v24 =	vadd.s32 $0x100, v24;
	v26 =	vsel vm0, v15, v26;
	vm0 =	vge.f32 v21, v8  }
.Ltmp3:
0x99: {  	v21 =	vsel vm0, v14, v26;
	(pc) =	sbr.rel @p0 .LBB2_9-.Ltmp3, $3  }
0x9a: {  	v21 =	vmul.f32 v21, v25;
	_ =	sdelay $0x1  }
0x9b: {  	[tilespmem:s19+$0x8000] =	vst v21  }
0x9c: {  	s18 =	sadd.s32 $0x40, s18;
	v21 =	vld.idx.msk [tilespmem:v24+s2+$0x0], $0xffff  }
0x9d: {  	_ =	sdelay $0x2  }
0x9e: {  	s17 =	sshra.s32 s17, $0x2  }
0x9f: {  	vm0 =	vge.f32 v21, v13;
	v13 =	vld [tilespmem:s17+$0x8000]  }
0xa0: {  	vm13 =	vge.f32 v21, v12;
	v18 =	vsel vm0, v20, v18  }
0xa1: {  	vm14 =	vge.f32 v21, v9;
	v12 =	vsel vm13, v19, v18  }
0xa2: {  	vm15 =	vge.f32 v21, v8;
	v9 =	vsel vm14, v15, v12;
	v15 =	vimm.s32 $0x24  }
0xa3: {  	v21 =	vimm.s32 $0x34;
	v8 =	vsel vm15, v14, v9  }
0xa4: {  	v24 =	vimm.s32 $0x44;
	v8 =	vmul.f32 v8, v13  }
0xa5: {  	v18 =	vimm.s32 $0x4  }
0xa6: {  	[tilespmem:s17+$0x8000] =	vst v8  }
0xa7: {  	v12 =	vld.idx.msk [tilespmem:v15+s9+$0x0], $0xffff  }
0xa8: {  	v9 =	vld.idx.msk [tilespmem:v21+s9+$0x0], $0xffff  }
0xa9: {  	v14 =	vimm.s32 $0x14;
	v8 =	vld.idx.msk [tilespmem:v24+s9+$0x0], $0xffff  }
0xaa: {  	v18 =	vld.idx.msk [tilespmem:v18+s12+$0x0], $0xffff  }
0xab: {  	v19 =	vld.idx.msk [tilespmem:v15+s12+$0x0], $0xffff  }
0xac: {  	v15 =	vld.idx.msk [tilespmem:v21+s12+$0x0], $0xffff  }
0xad: {  	v21 =	vld.idx.msk [tilespmem:v29+s2+$0x0], $0xffff  }
0xae: {  	v13 =	vld.idx.msk [tilespmem:v14+s9+$0x0], $0xffff  }
0xaf: {  	v20 =	vld.idx.msk [tilespmem:v14+s12+$0x0], $0xffff  }
0xb0: {  	s18 =	simm.s32 $0x40;
	s17 =	simm.s32 $0x0;
	v14 =	vld.idx.msk [tilespmem:v24+s12+$0x0], $0xffff;
	v24 =	vmov v29  }
.LBB2_11:
0xb1: {  	p0 =	sne.s32 s18, $0x1FC0;
	_ =	sdelay $0x3  }
0xb2: {  	s19 =	sshra.s32 s17, $0x2;
	s17 =	smov.u32 s18  }
0xb3: {  	vm0 =	vge.f32 v21, v13;
	v25 =	vld [tilespmem:s19+$0x8000]  }
0xb4: {  	v26 =	vsel vm0, v20, v18;
	vm0 =	vge.f32 v21, v12  }
0xb5: {  	v26 =	vsel vm0, v19, v26;
	vm0 =	vge.f32 v21, v9  }
0xb6: {  	v24 =	vadd.s32 $0x100, v24;
	v26 =	vsel vm0, v15, v26;
	vm0 =	vge.f32 v21, v8  }
.Ltmp4:
0xb7: {  	v21 =	vsel vm0, v14, v26;
	(pc) =	sbr.rel @p0 .LBB2_11-.Ltmp4, $3  }
0xb8: {  	v21 =	vmul.f32 v21, v25;
	_ =	sdelay $0x1  }
0xb9: {  	[tilespmem:s19+$0x8000] =	vst v21  }
0xba: {  	s18 =	sadd.s32 $0x40, s18;
	v21 =	vld.idx.msk [tilespmem:v24+s2+$0x0], $0xffff  }
0xbb: {  	_ =	sdelay $0x2  }
0xbc: {  	s17 =	sshra.s32 s17, $0x2  }
0xbd: {  	vm0 =	vge.f32 v21, v13;
	v13 =	vld [tilespmem:s17+$0x8000]  }
0xbe: {  	vm13 =	vge.f32 v21, v12;
	v18 =	vsel vm0, v20, v18  }
0xbf: {  	vm14 =	vge.f32 v21, v9;
	v12 =	vsel vm13, v19, v18  }
0xc0: {  	vm15 =	vge.f32 v21, v8;
	v9 =	vsel vm14, v15, v12  }
0xc1: {  	v8 =	vsel vm15, v14, v9  }
0xc2: {  	v8 =	vmul.f32 v8, v13;
	_ =	sdelay $0x1  }
0xc3: {  	[tilespmem:s17+$0x8000] =	vst v8  }
0xc4: {  	v13 =	vld.idx.msk [tilespmem:v30+s9+$0x0], $0xffff  }
0xc5: {  	v12 =	vld.idx.msk [tilespmem:v31+s9+$0x0], $0xffff  }
0xc6: {  	v9 =	vld.idx.msk [tilespmem:v32+s9+$0x0], $0xffff  }
0xc7: {  	v14 =	vimm.s32 $0x5;
	v8 =	vld.idx.msk [tilespmem:v33+s9+$0x0], $0xffff  }
0xc8: {  	v20 =	vld.idx.msk [tilespmem:v30+s12+$0x0], $0xffff  }
0xc9: {  	v19 =	vld.idx.msk [tilespmem:v31+s12+$0x0], $0xffff  }
0xca: {  	v15 =	vld.idx.msk [tilespmem:v32+s12+$0x0], $0xffff  }
0xcb: {  	v21 =	vld.idx.msk [tilespmem:v35+s2+$0x0], $0xffff  }
0xcc: {  	v18 =	vld.idx.msk [tilespmem:v14+s12+$0x0], $0xffff  }
0xcd: {  	s18 =	simm.s32 $0x40;
	v24 =	vmov v35;
	s17 =	simm.s32 $0x0;
	v14 =	vld.idx.msk [tilespmem:v33+s12+$0x0], $0xffff  }
.LBB2_13:
0xce: {  	p0 =	sne.s32 s18, $0x1FC0;
	_ =	sdelay $0x3  }
0xcf: {  	s19 =	sshra.s32 s17, $0x2;
	s17 =	smov.u32 s18  }
0xd0: {  	vm0 =	vge.f32 v21, v13;
	v25 =	vld [tilespmem:s19+$0x8000]  }
0xd1: {  	v26 =	vsel vm0, v20, v18;
	vm0 =	vge.f32 v21, v12  }
0xd2: {  	v26 =	vsel vm0, v19, v26;
	vm0 =	vge.f32 v21, v9  }
0xd3: {  	v24 =	vadd.s32 $0x100, v24;
	v26 =	vsel vm0, v15, v26;
	vm0 =	vge.f32 v21, v8  }
.Ltmp5:
0xd4: {  	v21 =	vsel vm0, v14, v26;
	(pc) =	sbr.rel @p0 .LBB2_13-.Ltmp5, $3  }
0xd5: {  	v21 =	vmul.f32 v21, v25;
	_ =	sdelay $0x1  }
0xd6: {  	[tilespmem:s19+$0x8000] =	vst v21  }
0xd7: {  	s18 =	sadd.s32 $0x40, s18;
	v21 =	vld.idx.msk [tilespmem:v24+s2+$0x0], $0xffff  }
0xd8: {  	_ =	sdelay $0x2  }
0xd9: {  	s17 =	sshra.s32 s17, $0x2  }
0xda: {  	vm0 =	vge.f32 v21, v13;
	v13 =	vld [tilespmem:s17+$0x8000]  }
0xdb: {  	vm13 =	vge.f32 v21, v12;
	v18 =	vsel vm0, v20, v18  }
0xdc: {  	vm14 =	vge.f32 v21, v9;
	v12 =	vsel vm13, v19, v18  }
0xdd: {  	vm15 =	vge.f32 v21, v8;
	v9 =	vsel vm14, v15, v12  }
0xde: {  	v8 =	vsel vm15, v14, v9  }
0xdf: {  	v8 =	vmul.f32 v8, v13;
	_ =	sdelay $0x1  }
0xe0: {  	v15 =	vimm.s32 $0x6;
	[tilespmem:s17+$0x8000] =	vst v8  }
0xe1: {  	v14 =	vld.idx.msk [tilespmem:v36+s9+$0x0], $0xffff  }
0xe2: {  	v8 =	vlaneseq.u32;
	v13 =	vld.idx.msk [tilespmem:v37+s9+$0x0], $0xffff  }
0xe3: {  	v9 =	vld.idx.msk [tilespmem:v38+s9+$0x0], $0xffff;
	v8 =	vmul.u32 $0x10, v8  }
0xe4: {  	v12 =	vld.idx.msk [tilespmem:v39+s9+$0x0], $0xffff  }
0xe5: {  	v18 =	vld.idx.msk [tilespmem:v15+s12+$0x0], $0xffff;
	v24 =	vor.u32 $0x6, v8  }
0xe6: {  	v21 =	vld.idx.msk [tilespmem:v36+s12+$0x0], $0xffff  }
0xe7: {  	v20 =	vld.idx.msk [tilespmem:v37+s12+$0x0], $0xffff  }
0xe8: {  	v19 =	vld.idx.msk [tilespmem:v38+s12+$0x0], $0xffff  }
0xe9: {  	v15 =	vld.idx.msk [tilespmem:v39+s12+$0x0], $0xffff  }
0xea: {  	s18 =	simm.s32 $0x40;
	s17 =	simm.s32 $0x0;
	v25 =	vld.idx.msk [tilespmem:v24+s2+$0x0], $0xffff  }
.LBB2_15:
0xeb: {  	p0 =	sne.s32 s18, $0x1FC0;
	_ =	sdelay $0x3  }
0xec: {  	s19 =	sshra.s32 s17, $0x2;
	s17 =	smov.u32 s18  }
0xed: {  	vm0 =	vge.f32 v25, v14;
	v26 =	vld [tilespmem:s19+$0x8000]  }
0xee: {  	v27 =	vsel vm0, v21, v18;
	vm0 =	vge.f32 v25, v13  }
0xef: {  	v27 =	vsel vm0, v20, v27;
	vm0 =	vge.f32 v25, v9  }
0xf0: {  	v24 =	vadd.s32 $0x100, v24;
	v27 =	vsel vm0, v19, v27;
	vm0 =	vge.f32 v25, v12  }
.Ltmp6:
0xf1: {  	v25 =	vsel vm0, v15, v27;
	(pc) =	sbr.rel @p0 .LBB2_15-.Ltmp6, $3  }
0xf2: {  	v25 =	vmul.f32 v25, v26;
	_ =	sdelay $0x1  }
0xf3: {  	[tilespmem:s19+$0x8000] =	vst v25  }
0xf4: {  	s18 =	sadd.s32 $0x40, s18;
	v25 =	vld.idx.msk [tilespmem:v24+s2+$0x0], $0xffff  }
0xf5: {  	_ =	sdelay $0x2  }
0xf6: {  	s17 =	sshra.s32 s17, $0x2  }
0xf7: {  	vm0 =	vge.f32 v25, v14;
	v14 =	vld [tilespmem:s17+$0x8000]  }
0xf8: {  	vm13 =	vge.f32 v25, v13;
	v18 =	vsel vm0, v21, v18  }
0xf9: {  	vm14 =	vge.f32 v25, v9;
	v13 =	vsel vm13, v20, v18  }
0xfa: {  	vm15 =	vge.f32 v25, v12;
	v9 =	vsel vm14, v19, v13  }
0xfb: {  	v9 =	vsel vm15, v15, v9  }
0xfc: {  	v9 =	vmul.f32 v9, v14;
	_ =	sdelay $0x1  }
0xfd: {  	[tilespmem:s17+$0x8000] =	vst v9  }
0xfe: {  	v14 =	vld.idx.msk [tilespmem:v41+s9+$0x0], $0xffff  }
0xff: {  	v13 =	vld.idx.msk [tilespmem:v42+s9+$0x0], $0xffff  }
0x100: {  	v24 =	vor.u32 $0x7, v8;
	v12 =	vld.idx.msk [tilespmem:v43+s9+$0x0], $0xffff  }
0x101: {  	v15 =	vimm.s32 $0x7;
	v9 =	vld.idx.msk [tilespmem:v44+s9+$0x0], $0xffff  }
0x102: {  	v21 =	vld.idx.msk [tilespmem:v41+s12+$0x0], $0xffff  }
0x103: {  	v20 =	vld.idx.msk [tilespmem:v42+s12+$0x0], $0xffff  }
0x104: {  	v19 =	vld.idx.msk [tilespmem:v43+s12+$0x0], $0xffff  }
0x105: {  	v25 =	vld.idx.msk [tilespmem:v24+s2+$0x0], $0xffff  }
0x106: {  	v18 =	vld.idx.msk [tilespmem:v15+s12+$0x0], $0xffff  }
0x107: {  	s18 =	simm.s32 $0x40;
	s17 =	simm.s32 $0x0;
	v15 =	vld.idx.msk [tilespmem:v44+s12+$0x0], $0xffff  }
.LBB2_17:
0x108: {  	p0 =	sne.s32 s18, $0x1FC0;
	_ =	sdelay $0x3  }
0x109: {  	s19 =	sshra.s32 s17, $0x2;
	s17 =	smov.u32 s18  }
0x10a: {  	vm0 =	vge.f32 v25, v14;
	v26 =	vld [tilespmem:s19+$0x8000]  }
0x10b: {  	v27 =	vsel vm0, v21, v18;
	vm0 =	vge.f32 v25, v13  }
0x10c: {  	v27 =	vsel vm0, v20, v27;
	vm0 =	vge.f32 v25, v12  }
0x10d: {  	v24 =	vadd.s32 $0x100, v24;
	v27 =	vsel vm0, v19, v27;
	vm0 =	vge.f32 v25, v9  }
.Ltmp7:
0x10e: {  	v25 =	vsel vm0, v15, v27;
	(pc) =	sbr.rel @p0 .LBB2_17-.Ltmp7, $3  }
0x10f: {  	v25 =	vmul.f32 v25, v26;
	_ =	sdelay $0x1  }
0x110: {  	[tilespmem:s19+$0x8000] =	vst v25  }
0x111: {  	s18 =	sadd.s32 $0x40, s18;
	v25 =	vld.idx.msk [tilespmem:v24+s2+$0x0], $0xffff  }
0x112: {  	_ =	sdelay $0x2  }
0x113: {  	s17 =	sshra.s32 s17, $0x2  }
0x114: {  	vm0 =	vge.f32 v25, v14;
	v14 =	vld [tilespmem:s17+$0x8000]  }
0x115: {  	vm13 =	vge.f32 v25, v13;
	v18 =	vsel vm0, v21, v18  }
0x116: {  	vm14 =	vge.f32 v25, v12;
	v13 =	vsel vm13, v20, v18  }
0x117: {  	vm15 =	vge.f32 v25, v9;
	v12 =	vsel vm14, v19, v13  }
0x118: {  	v9 =	vsel vm15, v15, v12  }
0x119: {  	v9 =	vmul.f32 v9, v14;
	_ =	sdelay $0x1  }
0x11a: {  	[tilespmem:s17+$0x8000] =	vst v9  }
0x11b: {  	v14 =	vld.idx.msk [tilespmem:v46+s9+$0x0], $0xffff  }
0x11c: {  	v13 =	vld.idx.msk [tilespmem:v47+s9+$0x0], $0xffff  }
0x11d: {  	v24 =	vor.u32 $0x8, v8;
	v12 =	vld.idx.msk [tilespmem:v48+s9+$0x0], $0xffff  }
0x11e: {  	v15 =	vimm.s32 $0x8;
	v9 =	vld.idx.msk [tilespmem:v49+s9+$0x0], $0xffff  }
0x11f: {  	v21 =	vld.idx.msk [tilespmem:v46+s12+$0x0], $0xffff  }
0x120: {  	v20 =	vld.idx.msk [tilespmem:v47+s12+$0x0], $0xffff  }
0x121: {  	v19 =	vld.idx.msk [tilespmem:v48+s12+$0x0], $0xffff  }
0x122: {  	v25 =	vld.idx.msk [tilespmem:v24+s2+$0x0], $0xffff  }
0x123: {  	v18 =	vld.idx.msk [tilespmem:v15+s12+$0x0], $0xffff  }
0x124: {  	s18 =	simm.s32 $0x40;
	s17 =	simm.s32 $0x0;
	v15 =	vld.idx.msk [tilespmem:v49+s12+$0x0], $0xffff  }
.LBB2_19:
0x125: {  	p0 =	sne.s32 s18, $0x1FC0;
	_ =	sdelay $0x3  }
0x126: {  	s19 =	sshra.s32 s17, $0x2;
	s17 =	smov.u32 s18  }
0x127: {  	vm0 =	vge.f32 v25, v14;
	v26 =	vld [tilespmem:s19+$0x8000]  }
0x128: {  	v27 =	vsel vm0, v21, v18;
	vm0 =	vge.f32 v25, v13  }
0x129: {  	v27 =	vsel vm0, v20, v27;
	vm0 =	vge.f32 v25, v12  }
0x12a: {  	v24 =	vadd.s32 $0x100, v24;
	v27 =	vsel vm0, v19, v27;
	vm0 =	vge.f32 v25, v9  }
.Ltmp8:
0x12b: {  	v25 =	vsel vm0, v15, v27;
	(pc) =	sbr.rel @p0 .LBB2_19-.Ltmp8, $3  }
0x12c: {  	v25 =	vmul.f32 v25, v26;
	_ =	sdelay $0x1  }
0x12d: {  	[tilespmem:s19+$0x8000] =	vst v25  }
0x12e: {  	s18 =	sadd.s32 $0x40, s18;
	v25 =	vld.idx.msk [tilespmem:v24+s2+$0x0], $0xffff  }
0x12f: {  	_ =	sdelay $0x2  }
0x130: {  	s17 =	sshra.s32 s17, $0x2  }
0x131: {  	vm0 =	vge.f32 v25, v14;
	v14 =	vld [tilespmem:s17+$0x8000]  }
0x132: {  	vm13 =	vge.f32 v25, v13;
	v18 =	vsel vm0, v21, v18  }
0x133: {  	vm14 =	vge.f32 v25, v12;
	v13 =	vsel vm13, v20, v18  }
0x134: {  	vm15 =	vge.f32 v25, v9;
	v12 =	vsel vm14, v19, v13  }
0x135: {  	v9 =	vsel vm15, v15, v12  }
0x136: {  	v9 =	vmul.f32 v9, v14;
	_ =	sdelay $0x1  }
0x137: {  	[tilespmem:s17+$0x8000] =	vst v9  }
0x138: {  	v14 =	vld.idx.msk [tilespmem:v51+s9+$0x0], $0xffff  }
0x139: {  	v13 =	vld.idx.msk [tilespmem:v52+s9+$0x0], $0xffff  }
0x13a: {  	v24 =	vor.u32 $0x9, v8;
	v12 =	vld.idx.msk [tilespmem:v53+s9+$0x0], $0xffff  }
0x13b: {  	v15 =	vimm.s32 $0x9;
	v9 =	vld.idx.msk [tilespmem:v54+s9+$0x0], $0xffff  }
0x13c: {  	v21 =	vld.idx.msk [tilespmem:v51+s12+$0x0], $0xffff  }
0x13d: {  	v20 =	vld.idx.msk [tilespmem:v52+s12+$0x0], $0xffff  }
0x13e: {  	v19 =	vld.idx.msk [tilespmem:v53+s12+$0x0], $0xffff  }
0x13f: {  	v25 =	vld.idx.msk [tilespmem:v24+s2+$0x0], $0xffff  }
0x140: {  	v18 =	vld.idx.msk [tilespmem:v15+s12+$0x0], $0xffff  }
0x141: {  	s18 =	simm.s32 $0x40;
	s17 =	simm.s32 $0x0;
	v15 =	vld.idx.msk [tilespmem:v54+s12+$0x0], $0xffff  }
.LBB2_21:
0x142: {  	p0 =	sne.s32 s18, $0x1FC0;
	_ =	sdelay $0x3  }
0x143: {  	s19 =	sshra.s32 s17, $0x2;
	s17 =	smov.u32 s18  }
0x144: {  	vm0 =	vge.f32 v25, v14;
	v26 =	vld [tilespmem:s19+$0x8000]  }
0x145: {  	v27 =	vsel vm0, v21, v18;
	vm0 =	vge.f32 v25, v13  }
0x146: {  	v27 =	vsel vm0, v20, v27;
	vm0 =	vge.f32 v25, v12  }
0x147: {  	v24 =	vadd.s32 $0x100, v24;
	v27 =	vsel vm0, v19, v27;
	vm0 =	vge.f32 v25, v9  }
.Ltmp9:
0x148: {  	v25 =	vsel vm0, v15, v27;
	(pc) =	sbr.rel @p0 .LBB2_21-.Ltmp9, $3  }
0x149: {  	v25 =	vmul.f32 v25, v26;
	_ =	sdelay $0x1  }
0x14a: {  	[tilespmem:s19+$0x8000] =	vst v25  }
0x14b: {  	s18 =	sadd.s32 $0x40, s18;
	v25 =	vld.idx.msk [tilespmem:v24+s2+$0x0], $0xffff  }
0x14c: {  	_ =	sdelay $0x2  }
0x14d: {  	s17 =	sshra.s32 s17, $0x2  }
0x14e: {  	vm0 =	vge.f32 v25, v14;
	v14 =	vld [tilespmem:s17+$0x8000]  }
0x14f: {  	vm13 =	vge.f32 v25, v13;
	v18 =	vsel vm0, v21, v18  }
0x150: {  	vm14 =	vge.f32 v25, v12;
	v13 =	vsel vm13, v20, v18  }
0x151: {  	vm15 =	vge.f32 v25, v9;
	v12 =	vsel vm14, v19, v13  }
0x152: {  	v9 =	vsel vm15, v15, v12  }
0x153: {  	v9 =	vmul.f32 v9, v14;
	_ =	sdelay $0x1  }
0x154: {  	[tilespmem:s17+$0x8000] =	vst v9  }
0x155: {  	v14 =	vld.idx.msk [tilespmem:v56+s9+$0x0], $0xffff  }
0x156: {  	v13 =	vld.idx.msk [tilespmem:v57+s9+$0x0], $0xffff  }
0x157: {  	v24 =	vor.u32 $0xA, v8;
	v12 =	vld.idx.msk [tilespmem:v58+s9+$0x0], $0xffff  }
0x158: {  	v15 =	vimm.s32 $0xA;
	v9 =	vld.idx.msk [tilespmem:v59+s9+$0x0], $0xffff  }
0x159: {  	v21 =	vld.idx.msk [tilespmem:v56+s12+$0x0], $0xffff  }
0x15a: {  	v20 =	vld.idx.msk [tilespmem:v57+s12+$0x0], $0xffff  }
0x15b: {  	v19 =	vld.idx.msk [tilespmem:v58+s12+$0x0], $0xffff  }
0x15c: {  	v25 =	vld.idx.msk [tilespmem:v24+s2+$0x0], $0xffff  }
0x15d: {  	v18 =	vld.idx.msk [tilespmem:v15+s12+$0x0], $0xffff  }
0x15e: {  	s18 =	simm.s32 $0x40;
	s17 =	simm.s32 $0x0;
	v15 =	vld.idx.msk [tilespmem:v59+s12+$0x0], $0xffff  }
.LBB2_23:
0x15f: {  	p0 =	sne.s32 s18, $0x1FC0;
	_ =	sdelay $0x3  }
0x160: {  	s19 =	sshra.s32 s17, $0x2;
	s17 =	smov.u32 s18  }
0x161: {  	vm0 =	vge.f32 v25, v14;
	v26 =	vld [tilespmem:s19+$0x8000]  }
0x162: {  	v27 =	vsel vm0, v21, v18;
	vm0 =	vge.f32 v25, v13  }
0x163: {  	v27 =	vsel vm0, v20, v27;
	vm0 =	vge.f32 v25, v12  }
0x164: {  	v24 =	vadd.s32 $0x100, v24;
	v27 =	vsel vm0, v19, v27;
	vm0 =	vge.f32 v25, v9  }
.Ltmp10:
0x165: {  	v25 =	vsel vm0, v15, v27;
	(pc) =	sbr.rel @p0 .LBB2_23-.Ltmp10, $3  }
0x166: {  	v25 =	vmul.f32 v25, v26;
	_ =	sdelay $0x1  }
0x167: {  	[tilespmem:s19+$0x8000] =	vst v25  }
0x168: {  	s18 =	sadd.s32 $0x40, s18;
	v25 =	vld.idx.msk [tilespmem:v24+s2+$0x0], $0xffff  }
0x169: {  	_ =	sdelay $0x2  }
0x16a: {  	s17 =	sshra.s32 s17, $0x2  }
0x16b: {  	vm0 =	vge.f32 v25, v14;
	v14 =	vld [tilespmem:s17+$0x8000]  }
0x16c: {  	vm13 =	vge.f32 v25, v13;
	v18 =	vsel vm0, v21, v18  }
0x16d: {  	vm14 =	vge.f32 v25, v12;
	v13 =	vsel vm13, v20, v18  }
0x16e: {  	vm15 =	vge.f32 v25, v9;
	v12 =	vsel vm14, v19, v13  }
0x16f: {  	v9 =	vsel vm15, v15, v12  }
0x170: {  	v9 =	vmul.f32 v9, v14;
	_ =	sdelay $0x1  }
0x171: {  	[tilespmem:s17+$0x8000] =	vst v9  }
0x172: {  	v14 =	vld.idx.msk [tilespmem:v61+s9+$0x0], $0xffff  }
0x173: {  	v13 =	vld.idx.msk [tilespmem:v62+s9+$0x0], $0xffff  }
0x174: {  	v24 =	vor.u32 $0xB, v8;
	v12 =	vld.idx.msk [tilespmem:v63+s9+$0x0], $0xffff  }
0x175: {  	v15 =	vimm.s32 $0xB;
	v9 =	vld.idx.msk [tilespmem:v4+s9+$0x0], $0xffff  }
0x176: {  	v21 =	vld.idx.msk [tilespmem:v61+s12+$0x0], $0xffff  }
0x177: {  	v20 =	vld.idx.msk [tilespmem:v62+s12+$0x0], $0xffff  }
0x178: {  	v19 =	vld.idx.msk [tilespmem:v63+s12+$0x0], $0xffff  }
0x179: {  	v25 =	vld.idx.msk [tilespmem:v24+s2+$0x0], $0xffff  }
0x17a: {  	v18 =	vld.idx.msk [tilespmem:v15+s12+$0x0], $0xffff  }
0x17b: {  	s18 =	simm.s32 $0x40;
	s17 =	simm.s32 $0x0;
	v15 =	vld.idx.msk [tilespmem:v4+s12+$0x0], $0xffff  }
.LBB2_25:
0x17c: {  	p0 =	sne.s32 s18, $0x1FC0;
	_ =	sdelay $0x3  }
0x17d: {  	s19 =	sshra.s32 s17, $0x2;
	s17 =	smov.u32 s18  }
0x17e: {  	vm0 =	vge.f32 v25, v14;
	v26 =	vld [tilespmem:s19+$0x8000]  }
0x17f: {  	v27 =	vsel vm0, v21, v18;
	vm0 =	vge.f32 v25, v13  }
0x180: {  	v27 =	vsel vm0, v20, v27;
	vm0 =	vge.f32 v25, v12  }
0x181: {  	v24 =	vadd.s32 $0x100, v24;
	v27 =	vsel vm0, v19, v27;
	vm0 =	vge.f32 v25, v9  }
.Ltmp11:
0x182: {  	v25 =	vsel vm0, v15, v27;
	(pc) =	sbr.rel @p0 .LBB2_25-.Ltmp11, $3  }
0x183: {  	v25 =	vmul.f32 v25, v26;
	_ =	sdelay $0x1  }
0x184: {  	[tilespmem:s19+$0x8000] =	vst v25  }
0x185: {  	s18 =	sadd.s32 $0x40, s18;
	v25 =	vld.idx.msk [tilespmem:v24+s2+$0x0], $0xffff  }
0x186: {  	_ =	sdelay $0x2  }
0x187: {  	s17 =	sshra.s32 s17, $0x2  }
0x188: {  	vm0 =	vge.f32 v25, v14;
	v14 =	vld [tilespmem:s17+$0x8000]  }
0x189: {  	vm13 =	vge.f32 v25, v13;
	v18 =	vsel vm0, v21, v18  }
0x18a: {  	vm14 =	vge.f32 v25, v12;
	v13 =	vsel vm13, v20, v18  }
0x18b: {  	vm15 =	vge.f32 v25, v9;
	v12 =	vsel vm14, v19, v13  }
0x18c: {  	v9 =	vsel vm15, v15, v12  }
0x18d: {  	v9 =	vmul.f32 v9, v14;
	_ =	sdelay $0x1  }
0x18e: {  	[tilespmem:s17+$0x8000] =	vst v9  }
0x18f: {  	v14 =	vld.idx.msk [tilespmem:v16+s9+$0x0], $0xffff  }
0x190: {  	v13 =	vld.idx.msk [tilespmem:v22+s9+$0x0], $0xffff  }
0x191: {  	v24 =	vor.u32 $0xC, v8;
	v12 =	vld.idx.msk [tilespmem:v28+s9+$0x0], $0xffff  }
0x192: {  	v15 =	vimm.s32 $0xC;
	v9 =	vld.idx.msk [tilespmem:v34+s9+$0x0], $0xffff  }
0x193: {  	v21 =	vld.idx.msk [tilespmem:v16+s12+$0x0], $0xffff  }
0x194: {  	v20 =	vld.idx.msk [tilespmem:v22+s12+$0x0], $0xffff  }
0x195: {  	v19 =	vld.idx.msk [tilespmem:v28+s12+$0x0], $0xffff  }
0x196: {  	v25 =	vld.idx.msk [tilespmem:v24+s2+$0x0], $0xffff  }
0x197: {  	v18 =	vld.idx.msk [tilespmem:v15+s12+$0x0], $0xffff  }
0x198: {  	s18 =	simm.s32 $0x40;
	s17 =	simm.s32 $0x0;
	v15 =	vld.idx.msk [tilespmem:v34+s12+$0x0], $0xffff  }
.LBB2_27:
0x199: {  	p0 =	sne.s32 s18, $0x1FC0;
	_ =	sdelay $0x3  }
0x19a: {  	s19 =	sshra.s32 s17, $0x2;
	s17 =	smov.u32 s18  }
0x19b: {  	vm0 =	vge.f32 v25, v14;
	v26 =	vld [tilespmem:s19+$0x8000]  }
0x19c: {  	v27 =	vsel vm0, v21, v18;
	vm0 =	vge.f32 v25, v13  }
0x19d: {  	v27 =	vsel vm0, v20, v27;
	vm0 =	vge.f32 v25, v12  }
0x19e: {  	v24 =	vadd.s32 $0x100, v24;
	v27 =	vsel vm0, v19, v27;
	vm0 =	vge.f32 v25, v9  }
.Ltmp12:
0x19f: {  	v25 =	vsel vm0, v15, v27;
	(pc) =	sbr.rel @p0 .LBB2_27-.Ltmp12, $3  }
0x1a0: {  	v25 =	vmul.f32 v25, v26;
	_ =	sdelay $0x1  }
0x1a1: {  	[tilespmem:s19+$0x8000] =	vst v25  }
0x1a2: {  	s18 =	sadd.s32 $0x40, s18;
	v25 =	vld.idx.msk [tilespmem:v24+s2+$0x0], $0xffff  }
0x1a3: {  	_ =	sdelay $0x2  }
0x1a4: {  	s17 =	sshra.s32 s17, $0x2  }
0x1a5: {  	vm0 =	vge.f32 v25, v14;
	v14 =	vld [tilespmem:s17+$0x8000]  }
0x1a6: {  	vm13 =	vge.f32 v25, v13;
	v18 =	vsel vm0, v21, v18  }
0x1a7: {  	vm14 =	vge.f32 v25, v12;
	v13 =	vsel vm13, v20, v18  }
0x1a8: {  	vm15 =	vge.f32 v25, v9;
	v12 =	vsel vm14, v19, v13  }
0x1a9: {  	v9 =	vsel vm15, v15, v12  }
0x1aa: {  	v9 =	vmul.f32 v9, v14;
	_ =	sdelay $0x1  }
0x1ab: {  	[tilespmem:s17+$0x8000] =	vst v9  }
0x1ac: {  	v14 =	vld.idx.msk [tilespmem:v45+s9+$0x0], $0xffff  }
0x1ad: {  	v13 =	vld.idx.msk [tilespmem:v50+s9+$0x0], $0xffff  }
0x1ae: {  	v24 =	vor.u32 $0xD, v8;
	v12 =	vld.idx.msk [tilespmem:v55+s9+$0x0], $0xffff  }
0x1af: {  	v15 =	vimm.s32 $0xD;
	v9 =	vld.idx.msk [tilespmem:v60+s9+$0x0], $0xffff  }
0x1b0: {  	v21 =	vld.idx.msk [tilespmem:v45+s12+$0x0], $0xffff  }
0x1b1: {  	v20 =	vld.idx.msk [tilespmem:v50+s12+$0x0], $0xffff  }
0x1b2: {  	v19 =	vld.idx.msk [tilespmem:v55+s12+$0x0], $0xffff  }
0x1b3: {  	v25 =	vld.idx.msk [tilespmem:v24+s2+$0x0], $0xffff  }
0x1b4: {  	v18 =	vld.idx.msk [tilespmem:v15+s12+$0x0], $0xffff  }
0x1b5: {  	s18 =	simm.s32 $0x40;
	s17 =	simm.s32 $0x0;
	v15 =	vld.idx.msk [tilespmem:v60+s12+$0x0], $0xffff  }
.LBB2_29:
0x1b6: {  	p0 =	sne.s32 s18, $0x1FC0;
	_ =	sdelay $0x3  }
0x1b7: {  	s19 =	sshra.s32 s17, $0x2;
	s17 =	smov.u32 s18  }
0x1b8: {  	vm0 =	vge.f32 v25, v14;
	v26 =	vld [tilespmem:s19+$0x8000]  }
0x1b9: {  	v27 =	vsel vm0, v21, v18;
	vm0 =	vge.f32 v25, v13  }
0x1ba: {  	v27 =	vsel vm0, v20, v27;
	vm0 =	vge.f32 v25, v12  }
0x1bb: {  	v24 =	vadd.s32 $0x100, v24;
	v27 =	vsel vm0, v19, v27;
	vm0 =	vge.f32 v25, v9  }
.Ltmp13:
0x1bc: {  	v25 =	vsel vm0, v15, v27;
	(pc) =	sbr.rel @p0 .LBB2_29-.Ltmp13, $3  }
0x1bd: {  	v25 =	vmul.f32 v25, v26;
	_ =	sdelay $0x1  }
0x1be: {  	[tilespmem:s19+$0x8000] =	vst v25  }
0x1bf: {  	s18 =	sadd.s32 $0x40, s18;
	v25 =	vld.idx.msk [tilespmem:v24+s2+$0x0], $0xffff  }
0x1c0: {  	_ =	sdelay $0x2  }
0x1c1: {  	s17 =	sshra.s32 s17, $0x2  }
0x1c2: {  	vm0 =	vge.f32 v25, v14;
	v14 =	vld [tilespmem:s17+$0x8000]  }
0x1c3: {  	vm13 =	vge.f32 v25, v13;
	v18 =	vsel vm0, v21, v18  }
0x1c4: {  	vm14 =	vge.f32 v25, v12;
	v13 =	vsel vm13, v20, v18  }
0x1c5: {  	vm15 =	vge.f32 v25, v9;
	v12 =	vsel vm14, v19, v13  }
0x1c6: {  	v9 =	vsel vm15, v15, v12  }
0x1c7: {  	v9 =	vmul.f32 v9, v14;
	_ =	sdelay $0x1  }
0x1c8: {  	[tilespmem:s17+$0x8000] =	vst v9  }
0x1c9: {  	v14 =	vld.idx.msk [tilespmem:v40+s9+$0x0], $0xffff  }
0x1ca: {  	v13 =	vld.idx.msk [tilespmem:v10+s9+$0x0], $0xffff  }
0x1cb: {  	v24 =	vor.u32 $0xE, v8;
	v12 =	vld.idx.msk [tilespmem:v0+s9+$0x0], $0xffff  }
0x1cc: {  	v15 =	vimm.s32 $0xE;
	v9 =	vld.idx.msk [tilespmem:v1+s9+$0x0], $0xffff  }
0x1cd: {  	v21 =	vld.idx.msk [tilespmem:v40+s12+$0x0], $0xffff  }
0x1ce: {  	v20 =	vld.idx.msk [tilespmem:v10+s12+$0x0], $0xffff  }
0x1cf: {  	v19 =	vld.idx.msk [tilespmem:v0+s12+$0x0], $0xffff  }
0x1d0: {  	v25 =	vld.idx.msk [tilespmem:v24+s2+$0x0], $0xffff  }
0x1d1: {  	v18 =	vld.idx.msk [tilespmem:v15+s12+$0x0], $0xffff  }
0x1d2: {  	s18 =	simm.s32 $0x40;
	s17 =	simm.s32 $0x0;
	v15 =	vld.idx.msk [tilespmem:v1+s12+$0x0], $0xffff  }
.LBB2_31:
0x1d3: {  	p0 =	sne.s32 s18, $0x1FC0;
	_ =	sdelay $0x3  }
0x1d4: {  	s19 =	sshra.s32 s17, $0x2;
	s17 =	smov.u32 s18  }
0x1d5: {  	vm0 =	vge.f32 v25, v14;
	v26 =	vld [tilespmem:s19+$0x8000]  }
0x1d6: {  	v27 =	vsel vm0, v21, v18;
	vm0 =	vge.f32 v25, v13  }
0x1d7: {  	v27 =	vsel vm0, v20, v27;
	vm0 =	vge.f32 v25, v12  }
0x1d8: {  	v24 =	vadd.s32 $0x100, v24;
	v27 =	vsel vm0, v19, v27;
	vm0 =	vge.f32 v25, v9  }
.Ltmp14:
0x1d9: {  	v25 =	vsel vm0, v15, v27;
	(pc) =	sbr.rel @p0 .LBB2_31-.Ltmp14, $3  }
0x1da: {  	v25 =	vmul.f32 v25, v26;
	_ =	sdelay $0x1  }
0x1db: {  	[tilespmem:s19+$0x8000] =	vst v25  }
0x1dc: {  	s18 =	sadd.s32 $0x40, s18;
	v25 =	vld.idx.msk [tilespmem:v24+s2+$0x0], $0xffff  }
0x1dd: {  	_ =	sdelay $0x2  }
0x1de: {  	s17 =	sshra.s32 s17, $0x2  }
0x1df: {  	vm0 =	vge.f32 v25, v14;
	v14 =	vld [tilespmem:s17+$0x8000]  }
0x1e0: {  	vm13 =	vge.f32 v25, v13;
	v18 =	vsel vm0, v21, v18  }
0x1e1: {  	vm14 =	vge.f32 v25, v12;
	v13 =	vsel vm13, v20, v18  }
0x1e2: {  	vm15 =	vge.f32 v25, v9;
	v12 =	vsel vm14, v19, v13  }
0x1e3: {  	v9 =	vsel vm15, v15, v12  }
0x1e4: {  	v9 =	vmul.f32 v9, v14;
	_ =	sdelay $0x1  }
0x1e5: {  	[tilespmem:s17+$0x8000] =	vst v9  }
0x1e6: {  	v14 =	vld.idx.msk [tilespmem:v2+s9+$0x0], $0xffff  }
0x1e7: {  	v13 =	vld.idx.msk [tilespmem:v3+s9+$0x0], $0xffff  }
0x1e8: {  	v12 =	vld.idx.msk [tilespmem:v6+s9+$0x0], $0xffff  }
0x1e9: {  	v21 =	vor.u32 $0xF, v8;
	v9 =	vld.idx.msk [tilespmem:v7+s9+$0x0], $0xffff  }
0x1ea: {  	v15 =	vimm.s32 $0xF;
	v20 =	vld.idx.msk [tilespmem:v2+s12+$0x0], $0xffff  }
0x1eb: {  	v19 =	vld.idx.msk [tilespmem:v3+s12+$0x0], $0xffff  }
0x1ec: {  	v18 =	vld.idx.msk [tilespmem:v6+s12+$0x0], $0xffff  }
0x1ed: {  	v8 =	vld.idx.msk [tilespmem:v7+s12+$0x0], $0xffff  }
0x1ee: {  	v24 =	vld.idx.msk [tilespmem:v21+s2+$0x0], $0xffff  }
0x1ef: {  	s18 =	simm.s32 $0x40;
	s17 =	simm.s32 $0x0;
	v15 =	vld.idx.msk [tilespmem:v15+s12+$0x0], $0xffff  }
.LBB2_33:
0x1f0: {  	p0 =	sne.s32 s18, $0x1FC0;
	_ =	sdelay $0x3  }
0x1f1: {  	s19 =	sshra.s32 s17, $0x2;
	s17 =	smov.u32 s18  }
0x1f2: {  	vm0 =	vge.f32 v24, v14;
	v25 =	vld [tilespmem:s19+$0x8000]  }
0x1f3: {  	v26 =	vsel vm0, v20, v15;
	vm0 =	vge.f32 v24, v13  }
0x1f4: {  	v26 =	vsel vm0, v19, v26;
	vm0 =	vge.f32 v24, v12  }
0x1f5: {  	v21 =	vadd.s32 $0x100, v21;
	v26 =	vsel vm0, v18, v26;
	vm0 =	vge.f32 v24, v9  }
.Ltmp15:
0x1f6: {  	v24 =	vsel vm0, v8, v26;
	(pc) =	sbr.rel @p0 .LBB2_33-.Ltmp15, $3  }
0x1f7: {  	v24 =	vmul.f32 v24, v25;
	_ =	sdelay $0x1  }
0x1f8: {  	[tilespmem:s19+$0x8000] =	vst v24  }
0x1f9: {  	s18 =	sadd.s32 $0x40, s18;
	v24 =	vld.idx.msk [tilespmem:v21+s2+$0x0], $0xffff  }
0x1fa: {  	_ =	sdelay $0x2  }
0x1fb: {  	s17 =	sshra.s32 s17, $0x2  }
0x1fc: {  	v26 =	vld [tilespmem:s17+$0x8000];
	vm0 =	vge.f32 v24, v14  }
0x1fd: {  	vm13 =	vge.f32 v24, v13;
	v15 =	vsel vm0, v20, v15  }
0x1fe: {  	vm14 =	vge.f32 v24, v12;
	v13 =	vsel vm13, v19, v15  }
0x1ff: {  	vm15 =	vge.f32 v24, v9;
	v12 =	vsel vm14, v18, v13  }
0x200: {  	v8 =	vsel vm15, v8, v12  }
0x201: {  	s15 =	sadd.s32 $0x1, s15;
	v8 =	vmul.f32 v8, v26  }
0x202: {  	s16 =	sshrl.u32 s16, $0x3;
	p0 =	sne.s32 s15, $0x10  }
.Ltmp16:
0x203: {  	s16 =	sadd.s32 s1, s16;
	[tilespmem:s17+$0x8000] =	vst v8;
	(pc) =	sbr.rel @p0 .LBB2_2-.Ltmp16, $4  }
0x204: {  	[hbm4b:s16+s2] =	stream.linear.scatter [tilespmem:s13], [sflag:$0x1], $0x800, $0x38;
	[tilespmem:$0x8980] =	vst v63  }
0x205: {  	_ =	swait.ge [sflag:s10], $0x800  }
0x206: {  	[sflag:s10] =	ssyncset.done $0x0  }
0x207: {  	[sflag:s10] =	ssyncadd.s32 $0xFFFFF800  }
0x208: {  	s14 =	sadd.s32 $0x1, s14  }
0x209: {  	p0 =	sne.s32 s14, s8  }
.Ltmp17:
0x20a: {  	_ = 	snop;
	(pc) =	sbr.rel @p0 .LBB2_1-.Ltmp17, $1  }
0x20b: {  	_ =	sdelay $0x3  }
0x20c: {  	_ =	sfence.sel $0x180000  }
0x20d: {  	[bflag:$0x0] =	sbarrier.arrive $0xFFFF  }
0x20e: {  	p0 =	sne.s32 s4, $0x0;
	_ =	strace $0x90000047  }
0x20f: {  	s0 =	sadd.s32 @!p0 $0x100000, s0;
	[bflag:$0x2] =	sbarrier.arrive $0xFFFF  }
0x210: {  	[sflag:s0] =	ssyncadd.tile.s32 @!p0 $0x1;
	_ =	shalt  }
.Lfunc_end2:
_tile_overlayer_lowered:
.L_overlay_start_2:
0x211: {  	(tag) =	ssettag $0x2  }
0x212: {  	s0 =	rddreg [dreg:$0x0];
	s2 =	stileid.u32  }
0x213: {  	s1 =	rddreg [dreg:$0x1];
	p0 =	sne.s32 s2, $0x0  }
0x214: {  	s3 =	rddreg [dreg:$0x2];
	[bflag:$0x3] =	sbarrier.arrive $0xFFFF;
	s2 =	simm.s32 @!p0 $0x1C01  }
0x215: {  	[timem:s3], [sflag:s2] =	dma.local @!p0 [hbm:s0], s1  }
0x216: {  	s0 =	simm.s32 @!p0 $0x1  }
0x217: {  	_ =	swait.ge @!p0 [sflag:s0], s1  }
0x218: {  	s1 =	ssub.s32 @!p0 $0x0, s1;
	[sflag:s0] =	ssyncset.done @!p0 $0x0  }
0x219: {  	[sflag:s0] =	ssyncadd.s32 @!p0 s1  }
0x21a: {  	[bflag:$0x3] =	sbarrier.arrive $0xFFFF  }
0x21b: {  	_ =	shalt  }

</sc_bundles>
